<compile_context>
chip_gen: v7x
topology: tpu7x:2x2x1
jax: 0.10.2.dev20260603
libtpu: 0.0.44.dev20260713+nightly
codegen_flags: <defaults>
</compile_context>

<pallas_src>
import functools

import jax
import jax.numpy as jnp
from jax import lax
from jax.experimental import pallas as pl
from jax.experimental.pallas import tpu as pltpu
from jax.experimental.pallas import tpu_sc as plsc

VOCAB = 1_000_000
EMB = 50
PE = 64
TW = 128
HID = 250
B = 4096
L = 200

NC, NS = 2, 16
NW = NC * NS
W_PER_SEQ = NW // 2
RPW = B // W_PER_SEQ
HALF = RPW // 2
CHUNK = 100
NCHUNK = L // CHUNK


def _pool_body(s1_hbm, s2_hbm, emb_hbm, out_hbm,
               idx_v, rows0, rows1, outst, sem0, sem1):
    c = lax.axis_index("c")
    s = lax.axis_index("s")
    wid = s * NC + c
    seq = wid // W_PER_SEQ
    base = (wid % W_PER_SEQ) * RPW

    def gather(t, j, buf, sem):
        return pltpu.make_async_copy(
            emb_hbm.at[idx_v.at[t, j]],
            buf.at[pl.ds(j * CHUNK, CHUNK)],
            sem)

    def reduce_store(t, buf):
        def body(g, accs):
            new = []
            for dr in range(4):
                r = g * 4 + dr
                for k in range(4):
                    new.append(accs[dr * 4 + k] + buf[r, pl.ds(k * 16, 16)])
            return tuple(new)

        accs = lax.fori_loop(0, L // 4, body,
                             (jnp.zeros((16,), jnp.float32),) * 16)
        inv = jnp.float32(1.0 / L)
        for k in range(4):
            outst[t, pl.ds(k * 16, 16)] = (
                accs[k] + accs[4 + k] + accs[8 + k] + accs[12 + k]) * inv

    def process_half(h, carry):
        hb = base + h * HALF

        @pl.when(seq == 0)
        def _():
            pltpu.sync_copy(s1_hbm.at[pl.ds(hb, HALF)], idx_v)

        @pl.when(seq == 1)
        def _():
            pltpu.sync_copy(s2_hbm.at[pl.ds(hb, HALF)], idx_v)

        for j in range(NCHUNK):
            gather(0, j, rows0, sem0).start()

        def outer(i, carry2):
            for b in range(2):
                buf, sem = (rows0, sem0) if b == 0 else (rows1, sem1)
                nbuf, nsem = (rows1, sem1) if b == 0 else (rows0, sem0)
                t = i * 2 + b

                @pl.when(t + 1 < HALF)
                def _():
                    for j in range(NCHUNK):
                        gather(t + 1, j, nbuf, nsem).start()

                for j in range(NCHUNK):
                    gather(t, j, buf, sem).wait()
                reduce_store(t, buf)
            return carry2

        lax.fori_loop(0, HALF // 2, outer, 0)

        pltpu.sync_copy(outst, out_hbm.at[seq, pl.ds(hb, HALF)])
        return carry

    lax.fori_loop(0, RPW // HALF, process_half, 0)


_pool = functools.partial(
    pl.kernel,
    out_type=jax.ShapeDtypeStruct((2, B, PE), jnp.float32),
    mesh=plsc.VectorSubcoreMesh(core_axis_name="c", subcore_axis_name="s"),
    scratch_types=[
        pltpu.VMEM((HALF, NCHUNK, CHUNK), jnp.int32),
        pltpu.VMEM((L, TW), jnp.float32),
        pltpu.VMEM((L, TW), jnp.float32),
        pltpu.VMEM((HALF, PE), jnp.float32),
        pltpu.SemaphoreType.DMA,
        pltpu.SemaphoreType.DMA,
    ],
)(_pool_body)


SI = 160
NBLK = VOCAB // SI
KPW = NBLK // NW
KPW2 = KPW - (KPW % 2)
NREM = NBLK - KPW * NW


def _scpad_body(emb_hbm, out_hbm, in0, in1, ou0, ou1,
                isem0, isem1, osem0, osem1):
    c = lax.axis_index("c")
    s = lax.axis_index("s")
    wid = s * NC + c

    z = jnp.zeros((16,), jnp.float32)

    def zinit(st):
        def zb(r, c2):
            for k in range(5):
                st[r, pl.ds(48 + k * 16, 16)] = z
            return c2
        lax.fori_loop(0, SI, zb, 0)

    zinit(ou0)
    zinit(ou1)

    def in_copy(blk, st, sem):
        return pltpu.make_async_copy(
            emb_hbm.at[pl.ds(blk * SI, SI)], st, sem)

    def out_copy(blk, st, sem):
        return pltpu.make_async_copy(
            st, out_hbm.at[pl.ds(blk * SI, SI)], sem)

    def relay(src_v, dst_v):
        def rb(r, c2):
            dst_v[r, pl.ds(0, 16)] = src_v[r, pl.ds(0, 16)]
            dst_v[r, pl.ds(16, 16)] = src_v[r, pl.ds(16, 16)]
            dst_v[r, pl.ds(32, 16)] = src_v[r, pl.ds(32, 16)]
            dst_v[r, pl.ds(34, 16)] = src_v[r, pl.ds(34, 16)]
            return c2
        lax.fori_loop(0, SI, rb, 0)

    bufs = ((in0, ou0, isem0, osem0), (in1, ou1, isem1, osem1))

    def blk(k):
        return wid + NW * k

    in_copy(blk(0), in0, isem0).start()

    def body(i2, carry):
        for b in range(2):
            inx, oux, isx, osx = bufs[b]
            iny, ouy, isy, osy = bufs[1 - b]
            i = i2 * 2 + b
            in_copy(blk(i), inx, isx).wait()

            @pl.when(i + 1 < KPW2)
            def _():
                in_copy(blk(i + 1), iny, isy).start()

            @pl.when(i >= 2)
            def _():
                out_copy(blk(i - 2), oux, osx).wait()

            relay(inx, oux)
            out_copy(blk(i), oux, osx).start()
        return carry

    lax.fori_loop(0, KPW2 // 2, body, 0)
    for back in (2, 1):
        k = KPW2 - back
        inx, oux, isx, osx = bufs[k % 2]
        out_copy(blk(k), oux, osx).wait()

    for k in range(KPW2, KPW):
        pltpu.sync_copy(emb_hbm.at[pl.ds(blk(k) * SI, SI)], in0)
        relay(in0, ou0)
        pltpu.sync_copy(ou0, out_hbm.at[pl.ds(blk(k) * SI, SI)])

    @pl.when(wid < NREM)
    def _():
        rb = KPW * NW + wid
        pltpu.sync_copy(emb_hbm.at[pl.ds(rb * SI, SI)], in0)
        relay(in0, ou0)
        pltpu.sync_copy(ou0, out_hbm.at[pl.ds(rb * SI, SI)])


_padk = functools.partial(
    pl.kernel,
    out_type=jax.ShapeDtypeStruct((VOCAB, TW), jnp.float32),
    mesh=plsc.VectorSubcoreMesh(core_axis_name="c", subcore_axis_name="s"),
    scratch_types=[
        pltpu.VMEM((SI, EMB), jnp.float32),
        pltpu.VMEM((SI, EMB), jnp.float32),
        pltpu.VMEM((SI, TW), jnp.float32),
        pltpu.VMEM((SI, TW), jnp.float32),
        pltpu.SemaphoreType.DMA,
        pltpu.SemaphoreType.DMA,
        pltpu.SemaphoreType.DMA,
        pltpu.SemaphoreType.DMA,
    ],
)(_scpad_body)


def _mlp_body(pooled_ref, w1_ref, b1_ref, w2_ref, b2_ref, out_ref):
    h = jnp.dot(pooled_ref[0], w1_ref[0],
                preferred_element_type=jnp.float32)
    h = h + jnp.dot(pooled_ref[1], w1_ref[1],
                    preferred_element_type=jnp.float32)
    h = h + b1_ref[...]
    h = jnp.maximum(h, 0.0)
    o = jnp.dot(h, w2_ref[...], preferred_element_type=jnp.float32)
    o = o + b2_ref[...]
    out_ref[...] = jax.nn.sigmoid(o)


_mlp = pl.pallas_call(
    _mlp_body,
    out_shape=jax.ShapeDtypeStruct((B, 1), jnp.float32),
)


def kernel(s1, s2, emb, W1, b1, W2, b2):
    s1r = s1.reshape(B, NCHUNK, CHUNK)
    s2r = s2.reshape(B, NCHUNK, CHUNK)
    embp = _padk(emb)
    pooled = _pool(s1r, s2r, embp)
    w1p = jnp.pad(W1.reshape(2, EMB, HID), ((0, 0), (0, PE - EMB), (0, 0)))
    return _mlp(pooled, w1p, b1.reshape(1, HID), W2, b2.reshape(1, 1))

# --- scband reference (transcript-rebuilt; emitter-appended) ---
"""Pipeline reference for scband-dan-62672162783549 (READ-ONLY COPY).

The authoritative reference and input builder live on the scoring server;
editing this copy changes nothing except your own understanding.
"""

import jax, jax.numpy as jnp
import numpy as np

VOCAB = 1000000
EMB = 50
HID = 250
B = 4096
L = 200

def setup_inputs(seed: int = 0) -> dict:
    key = jax.random.key(seed)
    k1, k2, k3, k4, k5 = jax.random.split(key, 5)
    s1 = jax.random.randint(k1, (B, L), 0, VOCAB, dtype=jnp.int64) if jax.config.jax_enable_x64 else jax.random.randint(k1, (B, L), 0, VOCAB, dtype=jnp.int32)
    s2 = jax.random.randint(k2, (B, L), 0, VOCAB, dtype=jnp.int32)
    s1 = s1.astype(jnp.int32)
    emb = jax.random.normal(k3, (VOCAB, EMB), dtype=jnp.float32) * 0.02
    W1 = jax.random.normal(k4, (2 * EMB, HID), dtype=jnp.float32) * (1.0 / np.sqrt(2 * EMB))
    b1 = jnp.zeros((HID,), dtype=jnp.float32)
    W2 = jax.random.normal(k5, (HID, 1), dtype=jnp.float32) * (1.0 / np.sqrt(HID))
    b2 = jnp.zeros((1,), dtype=jnp.float32)
    return {"s1": s1, "s2": s2, "emb": emb, "W1": W1, "b1": b1, "W2": W2, "b2": b2}

def reference(s1, s2, emb, W1, b1, W2, b2):
    # embedding lookup (gather) + mean pooling over sequence dim
    embed1 = jnp.mean(jnp.take(emb, s1, axis=0), axis=1)  # [B, EMB]
    embed2 = jnp.mean(jnp.take(emb, s2, axis=0), axis=1)  # [B, EMB]
    cat_rep = jnp.concatenate((embed1, embed2), axis=1)   # [B, 2*EMB]
    hidden_rep = cat_rep @ W1 + b1
    relu_rep = jnp.maximum(hidden_rep, 0.0)
    # dropout p=0 -> identity (eval semantics)
    output = jax.nn.sigmoid(relu_rep @ W2 + b2)           # [B, 1]
    # torch .squeeze(0).squeeze(0): no-op since B != 1
    return output

if __name__ == "__main__":
    import jax
    _d = setup_inputs()
    print(jax.jit(kernel)(*tuple(_d.values())))

</pallas_src>

<mosaic_0001>
#map = affine_map<(d0, d1) -> (0, 0)>
module attributes {stable_mosaic.version = 14 : i64} {
  func.func @_scpad_body(%arg0: i32, %arg1: i32, %arg2: memref<1000000x50xf32, #tpu.memory_space<hbm>>, %arg3: memref<1000000x128xf32, #tpu.memory_space<hbm>>, %arg4: memref<160x50xf32, #tpu.memory_space<vmem>>, %arg5: memref<160x50xf32, #tpu.memory_space<vmem>>, %arg6: memref<160x128xf32, #tpu.memory_space<vmem>>, %arg7: memref<160x128xf32, #tpu.memory_space<vmem>>, %arg8: memref<!tpu.dma_semaphore, #tpu.memory_space<semaphore_mem>>, %arg9: memref<!tpu.dma_semaphore, #tpu.memory_space<semaphore_mem>>, %arg10: memref<!tpu.dma_semaphore, #tpu.memory_space<semaphore_mem>>, %arg11: memref<!tpu.dma_semaphore, #tpu.memory_space<semaphore_mem>>) attributes {dimension_semantics = [#tpu.dimension_semantics<core_parallel>, #tpu.dimension_semantics<subcore_parallel>], iteration_bounds = array<i64: 2, 16>, scalar_prefetch = 0 : i64, scratch_operands = 8 : i64, tpu.core_type = #tpu.core_type<sc_vector_subcore>, window_params = [{transform_indices = #map}, {transform_indices = #map}]} {
    %mul3A = arith.constant 2 : i32
    %mul3A_0 = arith.muli %arg1, %mul3A : i32
    %add3A = arith.addi %mul3A_0, %arg0 : i32
    %broadcast_in_dim3A = arith.constant 0.000000e+00 : f32
    %broadcast_in_dim3A_1 = vector.broadcast %broadcast_in_dim3A : f32 to vector<16xf32>
    %scan3A = arith.constant 0 : i32
    %scan3A_2 = arith.constant 0 : i32
    %scan3A_3 = arith.constant 160 : i32
    %scan3A_4 = arith.addi %scan3A_2, %scan3A_3 : i32
    %scan3A_5 = arith.constant 1 : i32
    scf.for %scan3A_57 = %scan3A_2 to %scan3A_4 step %scan3A_5  : i32 {
      %swap3A = arith.index_cast %scan3A_57 : i32 to index
      %swap3A_58 = arith.constant 48 : index
      %swap3A_59 = tpu.vector_load %arg6[%swap3A, %swap3A_58] {strides = array<i32>} : memref<160x128xf32, #tpu.memory_space<vmem>>, vector<1x16xf32>,
      %swap3A_60 = vector.shape_cast %swap3A_59 : vector<1x16xf32> to vector<16xf32>
      %swap3A_61 = vector.shape_cast %broadcast_in_dim3A_1 : vector<16xf32> to vector<1x16xf32>
      tpu.vector_store %arg6[%swap3A, %swap3A_58], %swap3A_61 {strides = array<i32>} : memref<160x128xf32, #tpu.memory_space<vmem>>, vector<1x16xf32>,
      %swap3A_62 = arith.index_cast %scan3A_57 : i32 to index
      %swap3A_63 = arith.constant 64 : index
      %swap3A_64 = tpu.vector_load %arg6[%swap3A_62, %swap3A_63] {strides = array<i32>} : memref<160x128xf32, #tpu.memory_space<vmem>>, vector<1x16xf32>,
      %swap3A_65 = vector.shape_cast %swap3A_64 : vector<1x16xf32> to vector<16xf32>
      %swap3A_66 = vector.shape_cast %broadcast_in_dim3A_1 : vector<16xf32> to vector<1x16xf32>
      tpu.vector_store %arg6[%swap3A_62, %swap3A_63], %swap3A_66 {strides = array<i32>} : memref<160x128xf32, #tpu.memory_space<vmem>>, vector<1x16xf32>,
      %swap3A_67 = arith.index_cast %scan3A_57 : i32 to index
      %swap3A_68 = arith.constant 80 : index
      %swap3A_69 = tpu.vector_load %arg6[%swap3A_67, %swap3A_68] {strides = array<i32>} : memref<160x128xf32, #tpu.memory_space<vmem>>, vector<1x16xf32>,
      %swap3A_70 = vector.shape_cast %swap3A_69 : vector<1x16xf32> to vector<16xf32>
      %swap3A_71 = vector.shape_cast %broadcast_in_dim3A_1 : vector<16xf32> to vector<1x16xf32>
      tpu.vector_store %arg6[%swap3A_67, %swap3A_68], %swap3A_71 {strides = array<i32>} : memref<160x128xf32, #tpu.memory_space<vmem>>, vector<1x16xf32>,
      %swap3A_72 = arith.index_cast %scan3A_57 : i32 to index
      %swap3A_73 = arith.constant 96 : index
      %swap3A_74 = tpu.vector_load %arg6[%swap3A_72, %swap3A_73] {strides = array<i32>} : memref<160x128xf32, #tpu.memory_space<vmem>>, vector<1x16xf32>,
      %swap3A_75 = vector.shape_cast %swap3A_74 : vector<1x16xf32> to vector<16xf32>
      %swap3A_76 = vector.shape_cast %broadcast_in_dim3A_1 : vector<16xf32> to vector<1x16xf32>
      tpu.vector_store %arg6[%swap3A_72, %swap3A_73], %swap3A_76 {strides = array<i32>} : memref<160x128xf32, #tpu.memory_space<vmem>>, vector<1x16xf32>,
      %swap3A_77 = arith.index_cast %scan3A_57 : i32 to index
      %swap3A_78 = arith.constant 112 : index
      %swap3A_79 = tpu.vector_load %arg6[%swap3A_77, %swap3A_78] {strides = array<i32>} : memref<160x128xf32, #tpu.memory_space<vmem>>, vector<1x16xf32>,
      %swap3A_80 = vector.shape_cast %swap3A_79 : vector<1x16xf32> to vector<16xf32>
      %swap3A_81 = vector.shape_cast %broadcast_in_dim3A_1 : vector<16xf32> to vector<1x16xf32>
      tpu.vector_store %arg6[%swap3A_77, %swap3A_78], %swap3A_81 {strides = array<i32>} : memref<160x128xf32, #tpu.memory_space<vmem>>, vector<1x16xf32>,
    }
    %scan3A_6 = arith.constant 160 : i32
    %scan3A_7 = arith.constant 0 : i32
    %scan3A_8 = arith.constant 0 : i32
    %scan3A_9 = arith.constant 160 : i32
    %scan3A_10 = arith.addi %scan3A_8, %scan3A_9 : i32
    %scan3A_11 = arith.constant 1 : i32
    scf.for %scan3A_57 = %scan3A_8 to %scan3A_10 step %scan3A_11  : i32 {
      %swap3A = arith.index_cast %scan3A_57 : i32 to index
      %swap3A_58 = arith.constant 48 : index
      %swap3A_59 = tpu.vector_load %arg7[%swap3A, %swap3A_58] {strides = array<i32>} : memref<160x128xf32, #tpu.memory_space<vmem>>, vector<1x16xf32>,
      %swap3A_60 = vector.shape_cast %swap3A_59 : vector<1x16xf32> to vector<16xf32>
      %swap3A_61 = vector.shape_cast %broadcast_in_dim3A_1 : vector<16xf32> to vector<1x16xf32>
      tpu.vector_store %arg7[%swap3A, %swap3A_58], %swap3A_61 {strides = array<i32>} : memref<160x128xf32, #tpu.memory_space<vmem>>, vector<1x16xf32>,
      %swap3A_62 = arith.index_cast %scan3A_57 : i32 to index
      %swap3A_63 = arith.constant 64 : index
      %swap3A_64 = tpu.vector_load %arg7[%swap3A_62, %swap3A_63] {strides = array<i32>} : memref<160x128xf32, #tpu.memory_space<vmem>>, vector<1x16xf32>,
      %swap3A_65 = vector.shape_cast %swap3A_64 : vector<1x16xf32> to vector<16xf32>
      %swap3A_66 = vector.shape_cast %broadcast_in_dim3A_1 : vector<16xf32> to vector<1x16xf32>
      tpu.vector_store %arg7[%swap3A_62, %swap3A_63], %swap3A_66 {strides = array<i32>} : memref<160x128xf32, #tpu.memory_space<vmem>>, vector<1x16xf32>,
      %swap3A_67 = arith.index_cast %scan3A_57 : i32 to index
      %swap3A_68 = arith.constant 80 : index
      %swap3A_69 = tpu.vector_load %arg7[%swap3A_67, %swap3A_68] {strides = array<i32>} : memref<160x128xf32, #tpu.memory_space<vmem>>, vector<1x16xf32>,
      %swap3A_70 = vector.shape_cast %swap3A_69 : vector<1x16xf32> to vector<16xf32>
      %swap3A_71 = vector.shape_cast %broadcast_in_dim3A_1 : vector<16xf32> to vector<1x16xf32>
      tpu.vector_store %arg7[%swap3A_67, %swap3A_68], %swap3A_71 {strides = array<i32>} : memref<160x128xf32, #tpu.memory_space<vmem>>, vector<1x16xf32>,
      %swap3A_72 = arith.index_cast %scan3A_57 : i32 to index
      %swap3A_73 = arith.constant 96 : index
      %swap3A_74 = tpu.vector_load %arg7[%swap3A_72, %swap3A_73] {strides = array<i32>} : memref<160x128xf32, #tpu.memory_space<vmem>>, vector<1x16xf32>,
      %swap3A_75 = vector.shape_cast %swap3A_74 : vector<1x16xf32> to vector<16xf32>
      %swap3A_76 = vector.shape_cast %broadcast_in_dim3A_1 : vector<16xf32> to vector<1x16xf32>
      tpu.vector_store %arg7[%swap3A_72, %swap3A_73], %swap3A_76 {strides = array<i32>} : memref<160x128xf32, #tpu.memory_space<vmem>>, vector<1x16xf32>,
      %swap3A_77 = arith.index_cast %scan3A_57 : i32 to index
      %swap3A_78 = arith.constant 112 : index
      %swap3A_79 = tpu.vector_load %arg7[%swap3A_77, %swap3A_78] {strides = array<i32>} : memref<160x128xf32, #tpu.memory_space<vmem>>, vector<1x16xf32>,
      %swap3A_80 = vector.shape_cast %swap3A_79 : vector<1x16xf32> to vector<16xf32>
      %swap3A_81 = vector.shape_cast %broadcast_in_dim3A_1 : vector<16xf32> to vector<1x16xf32>
      tpu.vector_store %arg7[%swap3A_77, %swap3A_78], %swap3A_81 {strides = array<i32>} : memref<160x128xf32, #tpu.memory_space<vmem>>, vector<1x16xf32>,
    }
    %scan3A_12 = arith.constant 160 : i32
    %add3A_13 = arith.constant 0 : i32
    %add3A_14 = arith.addi %add3A, %add3A_13 : i32
    %mul3A_15 = arith.constant 160 : i32
    %mul3A_16 = arith.muli %add3A_14, %mul3A_15 : i32
    %dma_start3A = arith.constant 0 : i32
    %dma_start3A_17 = tpu.memref_slice %arg2[%mul3A_16, %dma_start3A] : memref<1000000x50xf32, #tpu.memory_space<hbm>> -> memref<160x50xf32, #tpu.memory_space<hbm>>
    %dma_start3A_18 = arith.constant 0 : i32
    %dma_start3A_19 = tpu.memref_slice %arg2[%mul3A_16, %dma_start3A_18] : memref<1000000x50xf32, #tpu.memory_space<hbm>> -> memref<160x50xf32, #tpu.memory_space<hbm>>
    tpu.enqueue_dma source(%dma_start3A_19 : memref<160x50xf32, #tpu.memory_space<hbm>>) target(%arg4 : memref<160x50xf32, #tpu.memory_space<vmem>>) target_semaphore(%arg8 : memref<!tpu.dma_semaphore, #tpu.memory_space<semaphore_mem>>)
    %scan3A_20 = arith.constant 0 : i32
    %scan3A_21 = arith.constant 0 : i32
    %scan3A_22 = arith.constant 97 : i32
    %scan3A_23 = arith.addi %scan3A_21, %scan3A_22 : i32
    %scan3A_24 = arith.constant 1 : i32
    scf.for %scan3A_57 = %scan3A_21 to %scan3A_23 step %scan3A_24  : i32 {
      %mul3A_58 = arith.constant 2 : i32
      %mul3A_59 = arith.muli %scan3A_57, %mul3A_58 : i32
      %add3A_60 = arith.constant 0 : i32
      %add3A_61 = arith.addi %mul3A_59, %add3A_60 : i32
      %mul3A_62 = arith.constant 32 : i32
      %mul3A_63 = arith.muli %mul3A_62, %add3A_61 : i32
      %add3A_64 = arith.addi %add3A, %mul3A_63 : i32
      %mul3A_65 = arith.constant 160 : i32
      %mul3A_66 = arith.muli %add3A_64, %mul3A_65 : i32
      %dma_wait3A_67 = arith.constant 0 : i32
      %dma_wait3A_68 = tpu.memref_slice %arg2[%mul3A_66, %dma_wait3A_67] : memref<1000000x50xf32, #tpu.memory_space<hbm>> -> memref<160x50xf32, #tpu.memory_space<hbm>>
      %dma_wait3A_69 = arith.constant 0 : i32
      %dma_wait3A_70 = tpu.memref_slice %arg2[%mul3A_66, %dma_wait3A_69] : memref<1000000x50xf32, #tpu.memory_space<hbm>> -> memref<160x50xf32, #tpu.memory_space<hbm>>
      tpu.wait_dma2 semaphore(%arg8 : memref<!tpu.dma_semaphore, #tpu.memory_space<semaphore_mem>>) src(%dma_wait3A_70 : memref<160x50xf32, #tpu.memory_space<hbm>>) dst(%arg4 : memref<160x50xf32, #tpu.memory_space<vmem>>)
      %add3A_71 = arith.constant 1 : i32
      %add3A_72 = arith.addi %add3A_61, %add3A_71 : i32
      %lt3A_73 = arith.constant 194 : i32
      %lt3A_74 = arith.cmpi slt, %add3A_72, %lt3A_73 : i32
      %convert_element_type3A_75 = arith.extui %lt3A_74 : i1 to i32
      %cond3A_76 = arith.constant 0 : i32
      %cond3A_77 = arith.cmpi ne, %convert_element_type3A_75, %cond3A_76 : i32
      scf.if %cond3A_77 {
        %add3A_137 = arith.constant 1 : i32
        %add3A_138 = arith.addi %add3A_61, %add3A_137 : i32
        %mul3A_139 = arith.constant 32 : i32
        %mul3A_140 = arith.muli %mul3A_139, %add3A_138 : i32
        %add3A_141 = arith.addi %add3A, %mul3A_140 : i32
        %mul3A_142 = arith.constant 160 : i32
        %mul3A_143 = arith.muli %add3A_141, %mul3A_142 : i32
        %dma_start3A_144 = arith.constant 0 : i32
        %dma_start3A_145 = tpu.memref_slice %arg2[%mul3A_143, %dma_start3A_144] : memref<1000000x50xf32, #tpu.memory_space<hbm>> -> memref<160x50xf32, #tpu.memory_space<hbm>>
        %dma_start3A_146 = arith.constant 0 : i32
        %dma_start3A_147 = tpu.memref_slice %arg2[%mul3A_143, %dma_start3A_146] : memref<1000000x50xf32, #tpu.memory_space<hbm>> -> memref<160x50xf32, #tpu.memory_space<hbm>>
        tpu.enqueue_dma source(%dma_start3A_147 : memref<160x50xf32, #tpu.memory_space<hbm>>) target(%arg5 : memref<160x50xf32, #tpu.memory_space<vmem>>) target_semaphore(%arg9 : memref<!tpu.dma_semaphore, #tpu.memory_space<semaphore_mem>>)
      } else {
      }
      %ge3A = arith.constant 2 : i32
      %ge3A_78 = arith.cmpi sge, %add3A_61, %ge3A : i32
      %convert_element_type3A_79 = arith.extui %ge3A_78 : i1 to i32
      %cond3A_80 = arith.constant 0 : i32
      %cond3A_81 = arith.cmpi ne, %convert_element_type3A_79, %cond3A_80 : i32
      scf.if %cond3A_81 {
        %sub3A = arith.constant 2 : i32
        %sub3A_137 = arith.subi %add3A_61, %sub3A : i32
        %mul3A_138 = arith.constant 32 : i32
        %mul3A_139 = arith.muli %mul3A_138, %sub3A_137 : i32
        %add3A_140 = arith.addi %add3A, %mul3A_139 : i32
        %mul3A_141 = arith.constant 160 : i32
        %mul3A_142 = arith.muli %add3A_140, %mul3A_141 : i32
        %dma_wait3A_143 = arith.constant 0 : i32
        %dma_wait3A_144 = tpu.memref_slice %arg3[%mul3A_142, %dma_wait3A_143] : memref<1000000x128xf32, #tpu.memory_space<hbm>> -> memref<160x128xf32, #tpu.memory_space<hbm>>
        %dma_wait3A_145 = arith.constant 0 : i32
        %dma_wait3A_146 = tpu.memref_slice %arg3[%mul3A_142, %dma_wait3A_145] : memref<1000000x128xf32, #tpu.memory_space<hbm>> -> memref<160x128xf32, #tpu.memory_space<hbm>>
        tpu.wait_dma2 semaphore(%arg10 : memref<!tpu.dma_semaphore, #tpu.memory_space<semaphore_mem>>) src(%arg6 : memref<160x128xf32, #tpu.memory_space<vmem>>) dst(%dma_wait3A_146 : memref<160x128xf32, #tpu.memory_space<hbm>>)
      } else {
      }
      %scan3A_82 = arith.constant 0 : i32
      %scan3A_83 = arith.constant 0 : i32
      %scan3A_84 = arith.constant 160 : i32
      %scan3A_85 = arith.addi %scan3A_83, %scan3A_84 : i32
      %scan3A_86 = arith.constant 1 : i32
      scf.for %scan3A_137 = %scan3A_83 to %scan3A_85 step %scan3A_86  : i32 {
        %get3A = arith.index_cast %scan3A_137 : i32 to index
        %get3A_138 = arith.constant 0 : index
        %get3A_139 = tpu.vector_load %arg4[%get3A, %get3A_138] {strides = array<i32>} : memref<160x50xf32, #tpu.memory_space<vmem>>, vector<1x16xf32>,
        %get3A_140 = vector.shape_cast %get3A_139 : vector<1x16xf32> to vector<16xf32>
        %swap3A = arith.index_cast %scan3A_137 : i32 to index
        %swap3A_141 = arith.constant 0 : index
        %swap3A_142 = tpu.vector_load %arg6[%swap3A, %swap3A_141] {strides = array<i32>} : memref<160x128xf32, #tpu.memory_space<vmem>>, vector<1x16xf32>,
        %swap3A_143 = vector.shape_cast %swap3A_142 : vector<1x16xf32> to vector<16xf32>
        %swap3A_144 = vector.shape_cast %get3A_140 : vector<16xf32> to vector<1x16xf32>
        tpu.vector_store %arg6[%swap3A, %swap3A_141], %swap3A_144 {strides = array<i32>} : memref<160x128xf32, #tpu.memory_space<vmem>>, vector<1x16xf32>,
        %get3A_145 = arith.index_cast %scan3A_137 : i32 to index
        %get3A_146 = arith.constant 16 : index
        %get3A_147 = tpu.vector_load %arg4[%get3A_145, %get3A_146] {strides = array<i32>} : memref<160x50xf32, #tpu.memory_space<vmem>>, vector<1x16xf32>,
        %get3A_148 = vector.shape_cast %get3A_147 : vector<1x16xf32> to vector<16xf32>
        %swap3A_149 = arith.index_cast %scan3A_137 : i32 to index
        %swap3A_150 = arith.constant 16 : index
        %swap3A_151 = tpu.vector_load %arg6[%swap3A_149, %swap3A_150] {strides = array<i32>} : memref<160x128xf32, #tpu.memory_space<vmem>>, vector<1x16xf32>,
        %swap3A_152 = vector.shape_cast %swap3A_151 : vector<1x16xf32> to vector<16xf32>
        %swap3A_153 = vector.shape_cast %get3A_148 : vector<16xf32> to vector<1x16xf32>
        tpu.vector_store %arg6[%swap3A_149, %swap3A_150], %swap3A_153 {strides = array<i32>} : memref<160x128xf32, #tpu.memory_space<vmem>>, vector<1x16xf32>,
        %get3A_154 = arith.index_cast %scan3A_137 : i32 to index
        %get3A_155 = arith.constant 32 : index
        %get3A_156 = tpu.vector_load %arg4[%get3A_154, %get3A_155] {strides = array<i32>} : memref<160x50xf32, #tpu.memory_space<vmem>>, vector<1x16xf32>,
        %get3A_157 = vector.shape_cast %get3A_156 : vector<1x16xf32> to vector<16xf32>
        %swap3A_158 = arith.index_cast %scan3A_137 : i32 to index
        %swap3A_159 = arith.constant 32 : index
        %swap3A_160 = tpu.vector_load %arg6[%swap3A_158, %swap3A_159] {strides = array<i32>} : memref<160x128xf32, #tpu.memory_space<vmem>>, vector<1x16xf32>,
        %swap3A_161 = vector.shape_cast %swap3A_160 : vector<1x16xf32> to vector<16xf32>
        %swap3A_162 = vector.shape_cast %get3A_157 : vector<16xf32> to vector<1x16xf32>
        tpu.vector_store %arg6[%swap3A_158, %swap3A_159], %swap3A_162 {strides = array<i32>} : memref<160x128xf32, #tpu.memory_space<vmem>>, vector<1x16xf32>,
        %get3A_163 = arith.index_cast %scan3A_137 : i32 to index
        %get3A_164 = arith.constant 34 : index
        %get3A_165 = tpu.vector_load %arg4[%get3A_163, %get3A_164] {strides = array<i32>} : memref<160x50xf32, #tpu.memory_space<vmem>>, vector<1x16xf32>,
        %get3A_166 = vector.shape_cast %get3A_165 : vector<1x16xf32> to vector<16xf32>
        %swap3A_167 = arith.index_cast %scan3A_137 : i32 to index
        %swap3A_168 = arith.constant 34 : index
        %swap3A_169 = tpu.vector_load %arg6[%swap3A_167, %swap3A_168] {strides = array<i32>} : memref<160x128xf32, #tpu.memory_space<vmem>>, vector<1x16xf32>,
        %swap3A_170 = vector.shape_cast %swap3A_169 : vector<1x16xf32> to vector<16xf32>
        %swap3A_171 = vector.shape_cast %get3A_166 : vector<16xf32> to vector<1x16xf32>
        tpu.vector_store %arg6[%swap3A_167, %swap3A_168], %swap3A_171 {strides = array<i32>} : memref<160x128xf32, #tpu.memory_space<vmem>>, vector<1x16xf32>,
      }
      %scan3A_87 = arith.constant 160 : i32
      %mul3A_88 = arith.constant 32 : i32
      %mul3A_89 = arith.muli %mul3A_88, %add3A_61 : i32
      %add3A_90 = arith.addi %add3A, %mul3A_89 : i32
      %mul3A_91 = arith.constant 160 : i32
      %mul3A_92 = arith.muli %add3A_90, %mul3A_91 : i32
      %dma_start3A_93 = arith.constant 0 : i32
      %dma_start3A_94 = tpu.memref_slice %arg3[%mul3A_92, %dma_start3A_93] : memref<1000000x128xf32, #tpu.memory_space<hbm>> -> memref<160x128xf32, #tpu.memory_space<hbm>>
      %dma_start3A_95 = arith.constant 0 : i32
      %dma_start3A_96 = tpu.memref_slice %arg3[%mul3A_92, %dma_start3A_95] : memref<1000000x128xf32, #tpu.memory_space<hbm>> -> memref<160x128xf32, #tpu.memory_space<hbm>>
      tpu.enqueue_dma source(%arg6 : memref<160x128xf32, #tpu.memory_space<vmem>>) target(%dma_start3A_96 : memref<160x128xf32, #tpu.memory_space<hbm>>) target_semaphore(%arg10 : memref<!tpu.dma_semaphore, #tpu.memory_space<semaphore_mem>>)
      %mul3A_97 = arith.constant 2 : i32
      %mul3A_98 = arith.muli %scan3A_57, %mul3A_97 : i32
      %add3A_99 = arith.constant 1 : i32
      %add3A_100 = arith.addi %mul3A_98, %add3A_99 : i32
      %mul3A_101 = arith.constant 32 : i32
      %mul3A_102 = arith.muli %mul3A_101, %add3A_100 : i32
      %add3A_103 = arith.addi %add3A, %mul3A_102 : i32
      %mul3A_104 = arith.constant 160 : i32
      %mul3A_105 = arith.muli %add3A_103, %mul3A_104 : i32
      %dma_wait3A_106 = arith.constant 0 : i32
      %dma_wait3A_107 = tpu.memref_slice %arg2[%mul3A_105, %dma_wait3A_106] : memref<1000000x50xf32, #tpu.memory_space<hbm>> -> memref<160x50xf32, #tpu.memory_space<hbm>>
      %dma_wait3A_108 = arith.constant 0 : i32
      %dma_wait3A_109 = tpu.memref_slice %arg2[%mul3A_105, %dma_wait3A_108] : memref<1000000x50xf32, #tpu.memory_space<hbm>> -> memref<160x50xf32, #tpu.memory_space<hbm>>
      tpu.wait_dma2 semaphore(%arg9 : memref<!tpu.dma_semaphore, #tpu.memory_space<semaphore_mem>>) src(%dma_wait3A_109 : memref<160x50xf32, #tpu.memory_space<hbm>>) dst(%arg5 : memref<160x50xf32, #tpu.memory_space<vmem>>)
      %add3A_110 = arith.constant 1 : i32
      %add3A_111 = arith.addi %add3A_100, %add3A_110 : i32
      %lt3A_112 = arith.constant 194 : i32
      %lt3A_113 = arith.cmpi slt, %add3A_111, %lt3A_112 : i32
      %convert_element_type3A_114 = arith.extui %lt3A_113 : i1 to i32
      %cond3A_115 = arith.constant 0 : i32
      %cond3A_116 = arith.cmpi ne, %convert_element_type3A_114, %cond3A_115 : i32
      scf.if %cond3A_116 {
        %add3A_137 = arith.constant 1 : i32
        %add3A_138 = arith.addi %add3A_100, %add3A_137 : i32
        %mul3A_139 = arith.constant 32 : i32
        %mul3A_140 = arith.muli %mul3A_139, %add3A_138 : i32
        %add3A_141 = arith.addi %add3A, %mul3A_140 : i32
        %mul3A_142 = arith.constant 160 : i32
        %mul3A_143 = arith.muli %add3A_141, %mul3A_142 : i32
        %dma_start3A_144 = arith.constant 0 : i32
        %dma_start3A_145 = tpu.memref_slice %arg2[%mul3A_143, %dma_start3A_144] : memref<1000000x50xf32, #tpu.memory_space<hbm>> -> memref<160x50xf32, #tpu.memory_space<hbm>>
        %dma_start3A_146 = arith.constant 0 : i32
        %dma_start3A_147 = tpu.memref_slice %arg2[%mul3A_143, %dma_start3A_146] : memref<1000000x50xf32, #tpu.memory_space<hbm>> -> memref<160x50xf32, #tpu.memory_space<hbm>>
        tpu.enqueue_dma source(%dma_start3A_147 : memref<160x50xf32, #tpu.memory_space<hbm>>) target(%arg4 : memref<160x50xf32, #tpu.memory_space<vmem>>) target_semaphore(%arg8 : memref<!tpu.dma_semaphore, #tpu.memory_space<semaphore_mem>>)
      } else {
      }
      %ge3A_117 = arith.constant 2 : i32
      %ge3A_118 = arith.cmpi sge, %add3A_100, %ge3A_117 : i32
      %convert_element_type3A_119 = arith.extui %ge3A_118 : i1 to i32
      %cond3A_120 = arith.constant 0 : i32
      %cond3A_121 = arith.cmpi ne, %convert_element_type3A_119, %cond3A_120 : i32
      scf.if %cond3A_121 {
        %sub3A = arith.constant 2 : i32
        %sub3A_137 = arith.subi %add3A_100, %sub3A : i32
        %mul3A_138 = arith.constant 32 : i32
        %mul3A_139 = arith.muli %mul3A_138, %sub3A_137 : i32
        %add3A_140 = arith.addi %add3A, %mul3A_139 : i32
        %mul3A_141 = arith.constant 160 : i32
        %mul3A_142 = arith.muli %add3A_140, %mul3A_141 : i32
        %dma_wait3A_143 = arith.constant 0 : i32
        %dma_wait3A_144 = tpu.memref_slice %arg3[%mul3A_142, %dma_wait3A_143] : memref<1000000x128xf32, #tpu.memory_space<hbm>> -> memref<160x128xf32, #tpu.memory_space<hbm>>
        %dma_wait3A_145 = arith.constant 0 : i32
        %dma_wait3A_146 = tpu.memref_slice %arg3[%mul3A_142, %dma_wait3A_145] : memref<1000000x128xf32, #tpu.memory_space<hbm>> -> memref<160x128xf32, #tpu.memory_space<hbm>>
        tpu.wait_dma2 semaphore(%arg11 : memref<!tpu.dma_semaphore, #tpu.memory_space<semaphore_mem>>) src(%arg7 : memref<160x128xf32, #tpu.memory_space<vmem>>) dst(%dma_wait3A_146 : memref<160x128xf32, #tpu.memory_space<hbm>>)
      } else {
      }
      %scan3A_122 = arith.constant 0 : i32
      %scan3A_123 = arith.constant 0 : i32
      %scan3A_124 = arith.constant 160 : i32
      %scan3A_125 = arith.addi %scan3A_123, %scan3A_124 : i32
      %scan3A_126 = arith.constant 1 : i32
      scf.for %scan3A_137 = %scan3A_123 to %scan3A_125 step %scan3A_126  : i32 {
        %get3A = arith.index_cast %scan3A_137 : i32 to index
        %get3A_138 = arith.constant 0 : index
        %get3A_139 = tpu.vector_load %arg5[%get3A, %get3A_138] {strides = array<i32>} : memref<160x50xf32, #tpu.memory_space<vmem>>, vector<1x16xf32>,
        %get3A_140 = vector.shape_cast %get3A_139 : vector<1x16xf32> to vector<16xf32>
        %swap3A = arith.index_cast %scan3A_137 : i32 to index
        %swap3A_141 = arith.constant 0 : index
        %swap3A_142 = tpu.vector_load %arg7[%swap3A, %swap3A_141] {strides = array<i32>} : memref<160x128xf32, #tpu.memory_space<vmem>>, vector<1x16xf32>,
        %swap3A_143 = vector.shape_cast %swap3A_142 : vector<1x16xf32> to vector<16xf32>
        %swap3A_144 = vector.shape_cast %get3A_140 : vector<16xf32> to vector<1x16xf32>
        tpu.vector_store %arg7[%swap3A, %swap3A_141], %swap3A_144 {strides = array<i32>} : memref<160x128xf32, #tpu.memory_space<vmem>>, vector<1x16xf32>,
        %get3A_145 = arith.index_cast %scan3A_137 : i32 to index
        %get3A_146 = arith.constant 16 : index
        %get3A_147 = tpu.vector_load %arg5[%get3A_145, %get3A_146] {strides = array<i32>} : memref<160x50xf32, #tpu.memory_space<vmem>>, vector<1x16xf32>,
        %get3A_148 = vector.shape_cast %get3A_147 : vector<1x16xf32> to vector<16xf32>
        %swap3A_149 = arith.index_cast %scan3A_137 : i32 to index
        %swap3A_150 = arith.constant 16 : index
        %swap3A_151 = tpu.vector_load %arg7[%swap3A_149, %swap3A_150] {strides = array<i32>} : memref<160x128xf32, #tpu.memory_space<vmem>>, vector<1x16xf32>,
        %swap3A_152 = vector.shape_cast %swap3A_151 : vector<1x16xf32> to vector<16xf32>
        %swap3A_153 = vector.shape_cast %get3A_148 : vector<16xf32> to vector<1x16xf32>
        tpu.vector_store %arg7[%swap3A_149, %swap3A_150], %swap3A_153 {strides = array<i32>} : memref<160x128xf32, #tpu.memory_space<vmem>>, vector<1x16xf32>,
        %get3A_154 = arith.index_cast %scan3A_137 : i32 to index
        %get3A_155 = arith.constant 32 : index
        %get3A_156 = tpu.vector_load %arg5[%get3A_154, %get3A_155] {strides = array<i32>} : memref<160x50xf32, #tpu.memory_space<vmem>>, vector<1x16xf32>,
        %get3A_157 = vector.shape_cast %get3A_156 : vector<1x16xf32> to vector<16xf32>
        %swap3A_158 = arith.index_cast %scan3A_137 : i32 to index
        %swap3A_159 = arith.constant 32 : index
        %swap3A_160 = tpu.vector_load %arg7[%swap3A_158, %swap3A_159] {strides = array<i32>} : memref<160x128xf32, #tpu.memory_space<vmem>>, vector<1x16xf32>,
        %swap3A_161 = vector.shape_cast %swap3A_160 : vector<1x16xf32> to vector<16xf32>
        %swap3A_162 = vector.shape_cast %get3A_157 : vector<16xf32> to vector<1x16xf32>
        tpu.vector_store %arg7[%swap3A_158, %swap3A_159], %swap3A_162 {strides = array<i32>} : memref<160x128xf32, #tpu.memory_space<vmem>>, vector<1x16xf32>,
        %get3A_163 = arith.index_cast %scan3A_137 : i32 to index
        %get3A_164 = arith.constant 34 : index
        %get3A_165 = tpu.vector_load %arg5[%get3A_163, %get3A_164] {strides = array<i32>} : memref<160x50xf32, #tpu.memory_space<vmem>>, vector<1x16xf32>,
        %get3A_166 = vector.shape_cast %get3A_165 : vector<1x16xf32> to vector<16xf32>
        %swap3A_167 = arith.index_cast %scan3A_137 : i32 to index
        %swap3A_168 = arith.constant 34 : index
        %swap3A_169 = tpu.vector_load %arg7[%swap3A_167, %swap3A_168] {strides = array<i32>} : memref<160x128xf32, #tpu.memory_space<vmem>>, vector<1x16xf32>,
        %swap3A_170 = vector.shape_cast %swap3A_169 : vector<1x16xf32> to vector<16xf32>
        %swap3A_171 = vector.shape_cast %get3A_166 : vector<16xf32> to vector<1x16xf32>
        tpu.vector_store %arg7[%swap3A_167, %swap3A_168], %swap3A_171 {strides = array<i32>} : memref<160x128xf32, #tpu.memory_space<vmem>>, vector<1x16xf32>,
      }
      %scan3A_127 = arith.constant 160 : i32
      %mul3A_128 = arith.constant 32 : i32
      %mul3A_129 = arith.muli %mul3A_128, %add3A_100 : i32
      %add3A_130 = arith.addi %add3A, %mul3A_129 : i32
      %mul3A_131 = arith.constant 160 : i32
      %mul3A_132 = arith.muli %add3A_130, %mul3A_131 : i32
      %dma_start3A_133 = arith.constant 0 : i32
      %dma_start3A_134 = tpu.memref_slice %arg3[%mul3A_132, %dma_start3A_133] : memref<1000000x128xf32, #tpu.memory_space<hbm>> -> memref<160x128xf32, #tpu.memory_space<hbm>>
      %dma_start3A_135 = arith.constant 0 : i32
      %dma_start3A_136 = tpu.memref_slice %arg3[%mul3A_132, %dma_start3A_135] : memref<1000000x128xf32, #tpu.memory_space<hbm>> -> memref<160x128xf32, #tpu.memory_space<hbm>>
      tpu.enqueue_dma source(%arg7 : memref<160x128xf32, #tpu.memory_space<vmem>>) target(%dma_start3A_136 : memref<160x128xf32, #tpu.memory_space<hbm>>) target_semaphore(%arg11 : memref<!tpu.dma_semaphore, #tpu.memory_space<semaphore_mem>>)
    }
    %scan3A_25 = arith.constant 97 : i32
    %add3A_26 = arith.constant 6144 : i32
    %add3A_27 = arith.addi %add3A, %add3A_26 : i32
    %mul3A_28 = arith.constant 160 : i32
    %mul3A_29 = arith.muli %add3A_27, %mul3A_28 : i32
    %dma_wait3A = arith.constant 0 : i32
    %dma_wait3A_30 = tpu.memref_slice %arg3[%mul3A_29, %dma_wait3A] : memref<1000000x128xf32, #tpu.memory_space<hbm>> -> memref<160x128xf32, #tpu.memory_space<hbm>>
    %dma_wait3A_31 = arith.constant 0 : i32
    %dma_wait3A_32 = tpu.memref_slice %arg3[%mul3A_29, %dma_wait3A_31] : memref<1000000x128xf32, #tpu.memory_space<hbm>> -> memref<160x128xf32, #tpu.memory_space<hbm>>
    tpu.wait_dma2 semaphore(%arg10 : memref<!tpu.dma_semaphore, #tpu.memory_space<semaphore_mem>>) src(%arg6 : memref<160x128xf32, #tpu.memory_space<vmem>>) dst(%dma_wait3A_32 : memref<160x128xf32, #tpu.memory_space<hbm>>)
    %add3A_33 = arith.constant 6176 : i32
    %add3A_34 = arith.addi %add3A, %add3A_33 : i32
    %mul3A_35 = arith.constant 160 : i32
    %mul3A_36 = arith.muli %add3A_34, %mul3A_35 : i32
    %dma_wait3A_37 = arith.constant 0 : i32
    %dma_wait3A_38 = tpu.memref_slice %arg3[%mul3A_36, %dma_wait3A_37] : memref<1000000x128xf32, #tpu.memory_space<hbm>> -> memref<160x128xf32, #tpu.memory_space<hbm>>
    %dma_wait3A_39 = arith.constant 0 : i32
    %dma_wait3A_40 = tpu.memref_slice %arg3[%mul3A_36, %dma_wait3A_39] : memref<1000000x128xf32, #tpu.memory_space<hbm>> -> memref<160x128xf32, #tpu.memory_space<hbm>>
    tpu.wait_dma2 semaphore(%arg11 : memref<!tpu.dma_semaphore, #tpu.memory_space<semaphore_mem>>) src(%arg7 : memref<160x128xf32, #tpu.memory_space<vmem>>) dst(%dma_wait3A_40 : memref<160x128xf32, #tpu.memory_space<hbm>>)
    %add3A_41 = arith.constant 6208 : i32
    %add3A_42 = arith.addi %add3A, %add3A_41 : i32
    %mul3A_43 = arith.constant 160 : i32
    %mul3A_44 = arith.muli %add3A_42, %mul3A_43 : i32
    "tpu.region"() ({
      %run_scoped3A = tpu.sem_alloc : memref<!tpu.dma_semaphore, #tpu.memory_space<semaphore_mem>>
      %dma_start3A_57 = arith.constant 0 : i32
      %dma_start3A_58 = tpu.memref_slice %arg2[%mul3A_44, %dma_start3A_57] : memref<1000000x50xf32, #tpu.memory_space<hbm>> -> memref<160x50xf32, #tpu.memory_space<hbm>>
      %dma_start3A_59 = arith.constant 0 : i32
      %dma_start3A_60 = tpu.memref_slice %arg2[%mul3A_44, %dma_start3A_59] : memref<1000000x50xf32, #tpu.memory_space<hbm>> -> memref<160x50xf32, #tpu.memory_space<hbm>>
      tpu.enqueue_dma source(%dma_start3A_60 : memref<160x50xf32, #tpu.memory_space<hbm>>) target(%arg4 : memref<160x50xf32, #tpu.memory_space<vmem>>) target_semaphore(%run_scoped3A : memref<!tpu.dma_semaphore, #tpu.memory_space<semaphore_mem>>)
      %dma_wait3A_61 = arith.constant 0 : i32
      %dma_wait3A_62 = tpu.memref_slice %arg2[%mul3A_44, %dma_wait3A_61] : memref<1000000x50xf32, #tpu.memory_space<hbm>> -> memref<160x50xf32, #tpu.memory_space<hbm>>
      %dma_wait3A_63 = arith.constant 0 : i32
      %dma_wait3A_64 = tpu.memref_slice %arg2[%mul3A_44, %dma_wait3A_63] : memref<1000000x50xf32, #tpu.memory_space<hbm>> -> memref<160x50xf32, #tpu.memory_space<hbm>>
      tpu.wait_dma2 semaphore(%run_scoped3A : memref<!tpu.dma_semaphore, #tpu.memory_space<semaphore_mem>>) src(%dma_wait3A_64 : memref<160x50xf32, #tpu.memory_space<hbm>>) dst(%arg4 : memref<160x50xf32, #tpu.memory_space<vmem>>)
      tpu.yield
    }) : () -> ()
    %scan3A_45 = arith.constant 0 : i32
    %scan3A_46 = arith.constant 0 : i32
    %scan3A_47 = arith.constant 160 : i32
    %scan3A_48 = arith.addi %scan3A_46, %scan3A_47 : i32
    %scan3A_49 = arith.constant 1 : i32
    scf.for %scan3A_57 = %scan3A_46 to %scan3A_48 step %scan3A_49  : i32 {
      %get3A = arith.index_cast %scan3A_57 : i32 to index
      %get3A_58 = arith.constant 0 : index
      %get3A_59 = tpu.vector_load %arg4[%get3A, %get3A_58] {strides = array<i32>} : memref<160x50xf32, #tpu.memory_space<vmem>>, vector<1x16xf32>,
      %get3A_60 = vector.shape_cast %get3A_59 : vector<1x16xf32> to vector<16xf32>
      %swap3A = arith.index_cast %scan3A_57 : i32 to index
      %swap3A_61 = arith.constant 0 : index
      %swap3A_62 = tpu.vector_load %arg6[%swap3A, %swap3A_61] {strides = array<i32>} : memref<160x128xf32, #tpu.memory_space<vmem>>, vector<1x16xf32>,
      %swap3A_63 = vector.shape_cast %swap3A_62 : vector<1x16xf32> to vector<16xf32>
      %swap3A_64 = vector.shape_cast %get3A_60 : vector<16xf32> to vector<1x16xf32>
      tpu.vector_store %arg6[%swap3A, %swap3A_61], %swap3A_64 {strides = array<i32>} : memref<160x128xf32, #tpu.memory_space<vmem>>, vector<1x16xf32>,
      %get3A_65 = arith.index_cast %scan3A_57 : i32 to index
      %get3A_66 = arith.constant 16 : index
      %get3A_67 = tpu.vector_load %arg4[%get3A_65, %get3A_66] {strides = array<i32>} : memref<160x50xf32, #tpu.memory_space<vmem>>, vector<1x16xf32>,
      %get3A_68 = vector.shape_cast %get3A_67 : vector<1x16xf32> to vector<16xf32>
      %swap3A_69 = arith.index_cast %scan3A_57 : i32 to index
      %swap3A_70 = arith.constant 16 : index
      %swap3A_71 = tpu.vector_load %arg6[%swap3A_69, %swap3A_70] {strides = array<i32>} : memref<160x128xf32, #tpu.memory_space<vmem>>, vector<1x16xf32>,
      %swap3A_72 = vector.shape_cast %swap3A_71 : vector<1x16xf32> to vector<16xf32>
      %swap3A_73 = vector.shape_cast %get3A_68 : vector<16xf32> to vector<1x16xf32>
      tpu.vector_store %arg6[%swap3A_69, %swap3A_70], %swap3A_73 {strides = array<i32>} : memref<160x128xf32, #tpu.memory_space<vmem>>, vector<1x16xf32>,
      %get3A_74 = arith.index_cast %scan3A_57 : i32 to index
      %get3A_75 = arith.constant 32 : index
      %get3A_76 = tpu.vector_load %arg4[%get3A_74, %get3A_75] {strides = array<i32>} : memref<160x50xf32, #tpu.memory_space<vmem>>, vector<1x16xf32>,
      %get3A_77 = vector.shape_cast %get3A_76 : vector<1x16xf32> to vector<16xf32>
      %swap3A_78 = arith.index_cast %scan3A_57 : i32 to index
      %swap3A_79 = arith.constant 32 : index
      %swap3A_80 = tpu.vector_load %arg6[%swap3A_78, %swap3A_79] {strides = array<i32>} : memref<160x128xf32, #tpu.memory_space<vmem>>, vector<1x16xf32>,
      %swap3A_81 = vector.shape_cast %swap3A_80 : vector<1x16xf32> to vector<16xf32>
      %swap3A_82 = vector.shape_cast %get3A_77 : vector<16xf32> to vector<1x16xf32>
      tpu.vector_store %arg6[%swap3A_78, %swap3A_79], %swap3A_82 {strides = array<i32>} : memref<160x128xf32, #tpu.memory_space<vmem>>, vector<1x16xf32>,
      %get3A_83 = arith.index_cast %scan3A_57 : i32 to index
      %get3A_84 = arith.constant 34 : index
      %get3A_85 = tpu.vector_load %arg4[%get3A_83, %get3A_84] {strides = array<i32>} : memref<160x50xf32, #tpu.memory_space<vmem>>, vector<1x16xf32>,
      %get3A_86 = vector.shape_cast %get3A_85 : vector<1x16xf32> to vector<16xf32>
      %swap3A_87 = arith.index_cast %scan3A_57 : i32 to index
      %swap3A_88 = arith.constant 34 : index
      %swap3A_89 = tpu.vector_load %arg6[%swap3A_87, %swap3A_88] {strides = array<i32>} : memref<160x128xf32, #tpu.memory_space<vmem>>, vector<1x16xf32>,
      %swap3A_90 = vector.shape_cast %swap3A_89 : vector<1x16xf32> to vector<16xf32>
      %swap3A_91 = vector.shape_cast %get3A_86 : vector<16xf32> to vector<1x16xf32>
      tpu.vector_store %arg6[%swap3A_87, %swap3A_88], %swap3A_91 {strides = array<i32>} : memref<160x128xf32, #tpu.memory_space<vmem>>, vector<1x16xf32>,
    }
    %scan3A_50 = arith.constant 160 : i32
    %add3A_51 = arith.constant 6208 : i32
    %add3A_52 = arith.addi %add3A, %add3A_51 : i32
    %mul3A_53 = arith.constant 160 : i32
    %mul3A_54 = arith.muli %add3A_52, %mul3A_53 : i32
    "tpu.region"() ({
      %run_scoped3A = tpu.sem_alloc : memref<!tpu.dma_semaphore, #tpu.memory_space<semaphore_mem>>
      %dma_start3A_57 = arith.constant 0 : i32
      %dma_start3A_58 = tpu.memref_slice %arg3[%mul3A_54, %dma_start3A_57] : memref<1000000x128xf32, #tpu.memory_space<hbm>> -> memref<160x128xf32, #tpu.memory_space<hbm>>
      %dma_start3A_59 = arith.constant 0 : i32
      %dma_start3A_60 = tpu.memref_slice %arg3[%mul3A_54, %dma_start3A_59] : memref<1000000x128xf32, #tpu.memory_space<hbm>> -> memref<160x128xf32, #tpu.memory_space<hbm>>
      tpu.enqueue_dma source(%arg6 : memref<160x128xf32, #tpu.memory_space<vmem>>) target(%dma_start3A_60 : memref<160x128xf32, #tpu.memory_space<hbm>>) target_semaphore(%run_scoped3A : memref<!tpu.dma_semaphore, #tpu.memory_space<semaphore_mem>>)
      %dma_wait3A_61 = arith.constant 0 : i32
      %dma_wait3A_62 = tpu.memref_slice %arg3[%mul3A_54, %dma_wait3A_61] : memref<1000000x128xf32, #tpu.memory_space<hbm>> -> memref<160x128xf32, #tpu.memory_space<hbm>>
      %dma_wait3A_63 = arith.constant 0 : i32
      %dma_wait3A_64 = tpu.memref_slice %arg3[%mul3A_54, %dma_wait3A_63] : memref<1000000x128xf32, #tpu.memory_space<hbm>> -> memref<160x128xf32, #tpu.memory_space<hbm>>
      tpu.wait_dma2 semaphore(%run_scoped3A : memref<!tpu.dma_semaphore, #tpu.memory_space<semaphore_mem>>) src(%arg6 : memref<160x128xf32, #tpu.memory_space<vmem>>) dst(%dma_wait3A_64 : memref<160x128xf32, #tpu.memory_space<hbm>>)
      tpu.yield
    }) : () -> ()
    %lt3A = arith.constant 10 : i32
    %lt3A_55 = arith.cmpi slt, %add3A, %lt3A : i32
    %convert_element_type3A = arith.extui %lt3A_55 : i1 to i32
    %cond3A = arith.constant 0 : i32
    %cond3A_56 = arith.cmpi ne, %convert_element_type3A, %cond3A : i32
    scf.if %cond3A_56 {
      %add3A_57 = arith.constant 6240 : i32
      %add3A_58 = arith.addi %add3A_57, %add3A : i32
      %mul3A_59 = arith.constant 160 : i32
      %mul3A_60 = arith.muli %add3A_58, %mul3A_59 : i32
      "tpu.region"() ({
        %run_scoped3A = tpu.sem_alloc : memref<!tpu.dma_semaphore, #tpu.memory_space<semaphore_mem>>
        %dma_start3A_69 = arith.constant 0 : i32
        %dma_start3A_70 = tpu.memref_slice %arg2[%mul3A_60, %dma_start3A_69] : memref<1000000x50xf32, #tpu.memory_space<hbm>> -> memref<160x50xf32, #tpu.memory_space<hbm>>
        %dma_start3A_71 = arith.constant 0 : i32
        %dma_start3A_72 = tpu.memref_slice %arg2[%mul3A_60, %dma_start3A_71] : memref<1000000x50xf32, #tpu.memory_space<hbm>> -> memref<160x50xf32, #tpu.memory_space<hbm>>
        tpu.enqueue_dma source(%dma_start3A_72 : memref<160x50xf32, #tpu.memory_space<hbm>>) target(%arg4 : memref<160x50xf32, #tpu.memory_space<vmem>>) target_semaphore(%run_scoped3A : memref<!tpu.dma_semaphore, #tpu.memory_space<semaphore_mem>>)
        %dma_wait3A_73 = arith.constant 0 : i32
        %dma_wait3A_74 = tpu.memref_slice %arg2[%mul3A_60, %dma_wait3A_73] : memref<1000000x50xf32, #tpu.memory_space<hbm>> -> memref<160x50xf32, #tpu.memory_space<hbm>>
        %dma_wait3A_75 = arith.constant 0 : i32
        %dma_wait3A_76 = tpu.memref_slice %arg2[%mul3A_60, %dma_wait3A_75] : memref<1000000x50xf32, #tpu.memory_space<hbm>> -> memref<160x50xf32, #tpu.memory_space<hbm>>
        tpu.wait_dma2 semaphore(%run_scoped3A : memref<!tpu.dma_semaphore, #tpu.memory_space<semaphore_mem>>) src(%dma_wait3A_76 : memref<160x50xf32, #tpu.memory_space<hbm>>) dst(%arg4 : memref<160x50xf32, #tpu.memory_space<vmem>>)
        tpu.yield
      }) : () -> ()
      %scan3A_61 = arith.constant 0 : i32
      %scan3A_62 = arith.constant 0 : i32
      %scan3A_63 = arith.constant 160 : i32
      %scan3A_64 = arith.addi %scan3A_62, %scan3A_63 : i32
      %scan3A_65 = arith.constant 1 : i32
      scf.for %scan3A_69 = %scan3A_62 to %scan3A_64 step %scan3A_65  : i32 {
        %get3A = arith.index_cast %scan3A_69 : i32 to index
        %get3A_70 = arith.constant 0 : index
        %get3A_71 = tpu.vector_load %arg4[%get3A, %get3A_70] {strides = array<i32>} : memref<160x50xf32, #tpu.memory_space<vmem>>, vector<1x16xf32>,
        %get3A_72 = vector.shape_cast %get3A_71 : vector<1x16xf32> to vector<16xf32>
        %swap3A = arith.index_cast %scan3A_69 : i32 to index
        %swap3A_73 = arith.constant 0 : index
        %swap3A_74 = tpu.vector_load %arg6[%swap3A, %swap3A_73] {strides = array<i32>} : memref<160x128xf32, #tpu.memory_space<vmem>>, vector<1x16xf32>,
        %swap3A_75 = vector.shape_cast %swap3A_74 : vector<1x16xf32> to vector<16xf32>
        %swap3A_76 = vector.shape_cast %get3A_72 : vector<16xf32> to vector<1x16xf32>
        tpu.vector_store %arg6[%swap3A, %swap3A_73], %swap3A_76 {strides = array<i32>} : memref<160x128xf32, #tpu.memory_space<vmem>>, vector<1x16xf32>,
        %get3A_77 = arith.index_cast %scan3A_69 : i32 to index
        %get3A_78 = arith.constant 16 : index
        %get3A_79 = tpu.vector_load %arg4[%get3A_77, %get3A_78] {strides = array<i32>} : memref<160x50xf32, #tpu.memory_space<vmem>>, vector<1x16xf32>,
        %get3A_80 = vector.shape_cast %get3A_79 : vector<1x16xf32> to vector<16xf32>
        %swap3A_81 = arith.index_cast %scan3A_69 : i32 to index
        %swap3A_82 = arith.constant 16 : index
        %swap3A_83 = tpu.vector_load %arg6[%swap3A_81, %swap3A_82] {strides = array<i32>} : memref<160x128xf32, #tpu.memory_space<vmem>>, vector<1x16xf32>,
        %swap3A_84 = vector.shape_cast %swap3A_83 : vector<1x16xf32> to vector<16xf32>
        %swap3A_85 = vector.shape_cast %get3A_80 : vector<16xf32> to vector<1x16xf32>
        tpu.vector_store %arg6[%swap3A_81, %swap3A_82], %swap3A_85 {strides = array<i32>} : memref<160x128xf32, #tpu.memory_space<vmem>>, vector<1x16xf32>,
        %get3A_86 = arith.index_cast %scan3A_69 : i32 to index
        %get3A_87 = arith.constant 32 : index
        %get3A_88 = tpu.vector_load %arg4[%get3A_86, %get3A_87] {strides = array<i32>} : memref<160x50xf32, #tpu.memory_space<vmem>>, vector<1x16xf32>,
        %get3A_89 = vector.shape_cast %get3A_88 : vector<1x16xf32> to vector<16xf32>
        %swap3A_90 = arith.index_cast %scan3A_69 : i32 to index
        %swap3A_91 = arith.constant 32 : index
        %swap3A_92 = tpu.vector_load %arg6[%swap3A_90, %swap3A_91] {strides = array<i32>} : memref<160x128xf32, #tpu.memory_space<vmem>>, vector<1x16xf32>,
        %swap3A_93 = vector.shape_cast %swap3A_92 : vector<1x16xf32> to vector<16xf32>
        %swap3A_94 = vector.shape_cast %get3A_89 : vector<16xf32> to vector<1x16xf32>
        tpu.vector_store %arg6[%swap3A_90, %swap3A_91], %swap3A_94 {strides = array<i32>} : memref<160x128xf32, #tpu.memory_space<vmem>>, vector<1x16xf32>,
        %get3A_95 = arith.index_cast %scan3A_69 : i32 to index
        %get3A_96 = arith.constant 34 : index
        %get3A_97 = tpu.vector_load %arg4[%get3A_95, %get3A_96] {strides = array<i32>} : memref<160x50xf32, #tpu.memory_space<vmem>>, vector<1x16xf32>,
        %get3A_98 = vector.shape_cast %get3A_97 : vector<1x16xf32> to vector<16xf32>
        %swap3A_99 = arith.index_cast %scan3A_69 : i32 to index
        %swap3A_100 = arith.constant 34 : index
        %swap3A_101 = tpu.vector_load %arg6[%swap3A_99, %swap3A_100] {strides = array<i32>} : memref<160x128xf32, #tpu.memory_space<vmem>>, vector<1x16xf32>,
        %swap3A_102 = vector.shape_cast %swap3A_101 : vector<1x16xf32> to vector<16xf32>
        %swap3A_103 = vector.shape_cast %get3A_98 : vector<16xf32> to vector<1x16xf32>
        tpu.vector_store %arg6[%swap3A_99, %swap3A_100], %swap3A_103 {strides = array<i32>} : memref<160x128xf32, #tpu.memory_space<vmem>>, vector<1x16xf32>,
      }
      %scan3A_66 = arith.constant 160 : i32
      %mul3A_67 = arith.constant 160 : i32
      %mul3A_68 = arith.muli %add3A_58, %mul3A_67 : i32
      "tpu.region"() ({
        %run_scoped3A = tpu.sem_alloc : memref<!tpu.dma_semaphore, #tpu.memory_space<semaphore_mem>>
        %dma_start3A_69 = arith.constant 0 : i32
        %dma_start3A_70 = tpu.memref_slice %arg3[%mul3A_68, %dma_start3A_69] : memref<1000000x128xf32, #tpu.memory_space<hbm>> -> memref<160x128xf32, #tpu.memory_space<hbm>>
        %dma_start3A_71 = arith.constant 0 : i32
        %dma_start3A_72 = tpu.memref_slice %arg3[%mul3A_68, %dma_start3A_71] : memref<1000000x128xf32, #tpu.memory_space<hbm>> -> memref<160x128xf32, #tpu.memory_space<hbm>>
        tpu.enqueue_dma source(%arg6 : memref<160x128xf32, #tpu.memory_space<vmem>>) target(%dma_start3A_72 : memref<160x128xf32, #tpu.memory_space<hbm>>) target_semaphore(%run_scoped3A : memref<!tpu.dma_semaphore, #tpu.memory_space<semaphore_mem>>)
        %dma_wait3A_73 = arith.constant 0 : i32
        %dma_wait3A_74 = tpu.memref_slice %arg3[%mul3A_68, %dma_wait3A_73] : memref<1000000x128xf32, #tpu.memory_space<hbm>> -> memref<160x128xf32, #tpu.memory_space<hbm>>
        %dma_wait3A_75 = arith.constant 0 : i32
        %dma_wait3A_76 = tpu.memref_slice %arg3[%mul3A_68, %dma_wait3A_75] : memref<1000000x128xf32, #tpu.memory_space<hbm>> -> memref<160x128xf32, #tpu.memory_space<hbm>>
        tpu.wait_dma2 semaphore(%run_scoped3A : memref<!tpu.dma_semaphore, #tpu.memory_space<semaphore_mem>>) src(%arg6 : memref<160x128xf32, #tpu.memory_space<vmem>>) dst(%dma_wait3A_76 : memref<160x128xf32, #tpu.memory_space<hbm>>)
        tpu.yield
      }) : () -> ()
    } else {
    }
    return
  }
}

#map = affine_map<(d0, d1) -> (0, 0, 0)>
#map1 = affine_map<(d0, d1) -> (0, 0)>
module attributes {stable_mosaic.version = 14 : i64} {
  func.func @_pool_body(%arg0: i32, %arg1: i32, %arg2: memref<4096x2x100xi32, #tpu.memory_space<hbm>>, %arg3: memref<4096x2x100xi32, #tpu.memory_space<hbm>>, %arg4: memref<1000000x128xf32, #tpu.memory_space<hbm>>, %arg5: memref<2x4096x64xf32, #tpu.memory_space<hbm>>, %arg6: memref<128x2x100xi32, #tpu.memory_space<vmem>>, %arg7: memref<200x128xf32, #tpu.memory_space<vmem>>, %arg8: memref<200x128xf32, #tpu.memory_space<vmem>>, %arg9: memref<128x64xf32, #tpu.memory_space<vmem>>, %arg10: memref<!tpu.dma_semaphore, #tpu.memory_space<semaphore_mem>>, %arg11: memref<!tpu.dma_semaphore, #tpu.memory_space<semaphore_mem>>) attributes {dimension_semantics = [#tpu.dimension_semantics<core_parallel>, #tpu.dimension_semantics<subcore_parallel>], iteration_bounds = array<i64: 2, 16>, scalar_prefetch = 0 : i64, scratch_operands = 6 : i64, tpu.core_type = #tpu.core_type<sc_vector_subcore>, window_params = [{transform_indices = #map}, {transform_indices = #map}, {transform_indices = #map1}, {transform_indices = #map}]} {
    %mul3A = arith.constant 2 : i32
    %mul3A_0 = arith.muli %arg1, %mul3A : i32
    %add3A = arith.addi %mul3A_0, %arg0 : i32
    %jit3A = arith.constant 16 : i32
    %div3A = arith.divsi %add3A, %jit3A : i32
    %sign3A = arith.constant 0 : i32
    %sign3A_1 = arith.cmpi sgt, %add3A, %sign3A : i32
    %sign3A_2 = arith.extui %sign3A_1 : i1 to i32
    %sign3A_3 = arith.constant 0 : i32
    %sign3A_4 = arith.cmpi slt, %add3A, %sign3A_3 : i32
    %sign3A_5 = arith.extui %sign3A_4 : i1 to i32
    %sign3A_6 = arith.subi %sign3A_2, %sign3A_5 : i32
    %sign3A_7 = arith.constant 0 : i32
    %sign3A_8 = arith.cmpi sgt, %jit3A, %sign3A_7 : i32
    %sign3A_9 = arith.extui %sign3A_8 : i1 to i32
    %sign3A_10 = arith.constant 0 : i32
    %sign3A_11 = arith.cmpi slt, %jit3A, %sign3A_10 : i32
    %sign3A_12 = arith.extui %sign3A_11 : i1 to i32
    %sign3A_13 = arith.subi %sign3A_9, %sign3A_12 : i32
    %ne3A = arith.cmpi ne, %sign3A_6, %sign3A_13 : i32
    %rem3A = arith.remsi %add3A, %jit3A : i32
    %ne3A_14 = arith.constant 0 : i32
    %ne3A_15 = arith.cmpi ne, %rem3A, %ne3A_14 : i32
    %and3A = arith.andi %ne3A, %ne3A_15 : i1
    %sub3A = arith.constant 1 : i32
    %sub3A_16 = arith.subi %div3A, %sub3A : i32
    %select_n3A = arith.select %and3A, %sub3A_16, %div3A : i32
    %jit3A_17 = arith.constant 16 : i32
    %eq3A = arith.constant 0 : i32
    %eq3A_18 = arith.cmpi eq, %jit3A_17, %eq3A : i32
    %jit3A_19 = arith.constant 1 : i32
    %select_n3A_20 = arith.select %eq3A_18, %jit3A_19, %jit3A_17 : i32
    %rem3A_21 = arith.remsi %add3A, %select_n3A_20 : i32
    %ne3A_22 = arith.constant 0 : i32
    %ne3A_23 = arith.cmpi ne, %rem3A_21, %ne3A_22 : i32
    %lt3A = arith.constant 0 : i32
    %lt3A_24 = arith.cmpi slt, %rem3A_21, %lt3A : i32
    %lt3A_25 = arith.constant 0 : i32
    %lt3A_26 = arith.cmpi slt, %select_n3A_20, %lt3A_25 : i32
    %ne3A_27 = arith.xori %lt3A_24, %lt3A_26 : i1
    %and3A_28 = arith.andi %ne3A_27, %ne3A_23 : i1
    %add3A_29 = arith.addi %rem3A_21, %select_n3A_20 : i32
    %select_n3A_30 = arith.select %and3A_28, %add3A_29, %rem3A_21 : i32
    %mul3A_31 = arith.constant 256 : i32
    %mul3A_32 = arith.muli %select_n3A_30, %mul3A_31 : i32
    %scan3A = arith.constant 0 : i32
    %scan3A_33 = arith.constant 0 : i32
    %scan3A_34 = arith.constant 2 : i32
    %scan3A_35 = arith.addi %scan3A_33, %scan3A_34 : i32
    %scan3A_36 = arith.constant 1 : i32
    scf.for %scan3A_38 = %scan3A_33 to %scan3A_35 step %scan3A_36  : i32 {
      %mul3A_39 = arith.constant 128 : i32
      %mul3A_40 = arith.muli %scan3A_38, %mul3A_39 : i32
      %add3A_41 = arith.addi %mul3A_32, %mul3A_40 : i32
      %eq3A_42 = arith.constant 0 : i32
      %eq3A_43 = arith.cmpi eq, %select_n3A, %eq3A_42 : i32
      %convert_element_type3A = arith.extui %eq3A_43 : i1 to i32
      %cond3A = arith.constant 0 : i32
      %cond3A_44 = arith.cmpi ne, %convert_element_type3A, %cond3A : i32
      scf.if %cond3A_44 {
        "tpu.region"() ({
          %run_scoped3A = tpu.sem_alloc : memref<!tpu.dma_semaphore, #tpu.memory_space<semaphore_mem>>
          %dma_start3A_77 = arith.constant 0 : i32
          %dma_start3A_78 = arith.constant 0 : i32
          %dma_start3A_79 = tpu.memref_slice %arg2[%add3A_41, %dma_start3A_77, %dma_start3A_78] : memref<4096x2x100xi32, #tpu.memory_space<hbm>> -> memref<128x2x100xi32, #tpu.memory_space<hbm>>
          %dma_start3A_80 = arith.constant 0 : i32
          %dma_start3A_81 = arith.constant 0 : i32
          %dma_start3A_82 = tpu.memref_slice %arg2[%add3A_41, %dma_start3A_80, %dma_start3A_81] : memref<4096x2x100xi32, #tpu.memory_space<hbm>> -> memref<128x2x100xi32, #tpu.memory_space<hbm>>
          tpu.enqueue_dma source(%dma_start3A_82 : memref<128x2x100xi32, #tpu.memory_space<hbm>>) target(%arg6 : memref<128x2x100xi32, #tpu.memory_space<vmem>>) target_semaphore(%run_scoped3A : memref<!tpu.dma_semaphore, #tpu.memory_space<semaphore_mem>>)
          %dma_wait3A = arith.constant 0 : i32
          %dma_wait3A_83 = arith.constant 0 : i32
          %dma_wait3A_84 = tpu.memref_slice %arg2[%add3A_41, %dma_wait3A, %dma_wait3A_83] : memref<4096x2x100xi32, #tpu.memory_space<hbm>> -> memref<128x2x100xi32, #tpu.memory_space<hbm>>
          %dma_wait3A_85 = arith.constant 0 : i32
          %dma_wait3A_86 = arith.constant 0 : i32
          %dma_wait3A_87 = tpu.memref_slice %arg2[%add3A_41, %dma_wait3A_85, %dma_wait3A_86] : memref<4096x2x100xi32, #tpu.memory_space<hbm>> -> memref<128x2x100xi32, #tpu.memory_space<hbm>>
          tpu.wait_dma2 semaphore(%run_scoped3A : memref<!tpu.dma_semaphore, #tpu.memory_space<semaphore_mem>>) src(%dma_wait3A_87 : memref<128x2x100xi32, #tpu.memory_space<hbm>>) dst(%arg6 : memref<128x2x100xi32, #tpu.memory_space<vmem>>)
          tpu.yield
        }) : () -> ()
      } else {
      }
      %eq3A_45 = arith.constant 1 : i32
      %eq3A_46 = arith.cmpi eq, %select_n3A, %eq3A_45 : i32
      %convert_element_type3A_47 = arith.extui %eq3A_46 : i1 to i32
      %cond3A_48 = arith.constant 0 : i32
      %cond3A_49 = arith.cmpi ne, %convert_element_type3A_47, %cond3A_48 : i32
      scf.if %cond3A_49 {
        "tpu.region"() ({
          %run_scoped3A = tpu.sem_alloc : memref<!tpu.dma_semaphore, #tpu.memory_space<semaphore_mem>>
          %dma_start3A_77 = arith.constant 0 : i32
          %dma_start3A_78 = arith.constant 0 : i32
          %dma_start3A_79 = tpu.memref_slice %arg3[%add3A_41, %dma_start3A_77, %dma_start3A_78] : memref<4096x2x100xi32, #tpu.memory_space<hbm>> -> memref<128x2x100xi32, #tpu.memory_space<hbm>>
          %dma_start3A_80 = arith.constant 0 : i32
          %dma_start3A_81 = arith.constant 0 : i32
          %dma_start3A_82 = tpu.memref_slice %arg3[%add3A_41, %dma_start3A_80, %dma_start3A_81] : memref<4096x2x100xi32, #tpu.memory_space<hbm>> -> memref<128x2x100xi32, #tpu.memory_space<hbm>>
          tpu.enqueue_dma source(%dma_start3A_82 : memref<128x2x100xi32, #tpu.memory_space<hbm>>) target(%arg6 : memref<128x2x100xi32, #tpu.memory_space<vmem>>) target_semaphore(%run_scoped3A : memref<!tpu.dma_semaphore, #tpu.memory_space<semaphore_mem>>)
          %dma_wait3A = arith.constant 0 : i32
          %dma_wait3A_83 = arith.constant 0 : i32
          %dma_wait3A_84 = tpu.memref_slice %arg3[%add3A_41, %dma_wait3A, %dma_wait3A_83] : memref<4096x2x100xi32, #tpu.memory_space<hbm>> -> memref<128x2x100xi32, #tpu.memory_space<hbm>>
          %dma_wait3A_85 = arith.constant 0 : i32
          %dma_wait3A_86 = arith.constant 0 : i32
          %dma_wait3A_87 = tpu.memref_slice %arg3[%add3A_41, %dma_wait3A_85, %dma_wait3A_86] : memref<4096x2x100xi32, #tpu.memory_space<hbm>> -> memref<128x2x100xi32, #tpu.memory_space<hbm>>
          tpu.wait_dma2 semaphore(%run_scoped3A : memref<!tpu.dma_semaphore, #tpu.memory_space<semaphore_mem>>) src(%dma_wait3A_87 : memref<128x2x100xi32, #tpu.memory_space<hbm>>) dst(%arg6 : memref<128x2x100xi32, #tpu.memory_space<vmem>>)
          tpu.yield
        }) : () -> ()
      } else {
      }
      %dma_start3A = arith.constant 0 : i32
      %dma_start3A_50 = arith.constant 0 : i32
      %dma_start3A_51 = arith.constant 0 : i32
      %dma_start3A_52 = arith.constant 0 : i32
      %dma_start3A_53 = tpu.memref_slice %arg7[%dma_start3A_51, %dma_start3A_52] : memref<200x128xf32, #tpu.memory_space<vmem>> -> memref<100x128xf32, #tpu.memory_space<vmem>>
      %dma_start3A_54 = arith.constant 0 : i32
      %dma_start3A_55 = tpu.memref_slice %arg6[%dma_start3A, %dma_start3A_50, %dma_start3A_54] : memref<128x2x100xi32, #tpu.memory_space<vmem>> -> memref<1x1x100xi32, #tpu.memory_space<vmem>>
      %dma_start3A_56 = tpu.memref_squeeze %dma_start3A_55 : memref<1x1x100xi32, #tpu.memory_space<vmem>> -> memref<100xi32, #tpu.memory_space<vmem>>
      %dma_start3A_57 = arith.constant 0 : i32
      %dma_start3A_58 = arith.constant 0 : i32
      %dma_start3A_59 = tpu.memref_slice %arg4[%dma_start3A_57, %dma_start3A_58] : memref<1000000x128xf32, #tpu.memory_space<hbm>> -> memref<1000000x128xf32, #tpu.memory_space<hbm>>
      tpu.enqueue_indirect_dma source(%dma_start3A_59 : memref<1000000x128xf32, #tpu.memory_space<hbm>>) target(%dma_start3A_53 : memref<100x128xf32, #tpu.memory_space<vmem>>) offsets(%dma_start3A_56 : memref<100xi32, #tpu.memory_space<vmem>>) semaphore(%arg10 : memref<!tpu.dma_semaphore, #tpu.memory_space<semaphore_mem>>)
      %dma_start3A_60 = arith.constant 0 : i32
      %dma_start3A_61 = arith.constant 1 : i32
      %dma_start3A_62 = arith.constant 100 : i32
      %dma_start3A_63 = arith.constant 0 : i32
      %dma_start3A_64 = tpu.memref_slice %arg7[%dma_start3A_62, %dma_start3A_63] : memref<200x128xf32, #tpu.memory_space<vmem>> -> memref<100x128xf32, #tpu.memory_space<vmem>>
      %dma_start3A_65 = arith.constant 0 : i32
      %dma_start3A_66 = tpu.memref_slice %arg6[%dma_start3A_60, %dma_start3A_61, %dma_start3A_65] : memref<128x2x100xi32, #tpu.memory_space<vmem>> -> memref<1x1x100xi32, #tpu.memory_space<vmem>>
      %dma_start3A_67 = tpu.memref_squeeze %dma_start3A_66 : memref<1x1x100xi32, #tpu.memory_space<vmem>> -> memref<100xi32, #tpu.memory_space<vmem>>
      %dma_start3A_68 = arith.constant 0 : i32
      %dma_start3A_69 = arith.constant 0 : i32
      %dma_start3A_70 = tpu.memref_slice %arg4[%dma_start3A_68, %dma_start3A_69] : memref<1000000x128xf32, #tpu.memory_space<hbm>> -> memref<1000000x128xf32, #tpu.memory_space<hbm>>
      tpu.enqueue_indirect_dma source(%dma_start3A_70 : memref<1000000x128xf32, #tpu.memory_space<hbm>>) target(%dma_start3A_64 : memref<100x128xf32, #tpu.memory_space<vmem>>) offsets(%dma_start3A_67 : memref<100xi32, #tpu.memory_space<vmem>>) semaphore(%arg10 : memref<!tpu.dma_semaphore, #tpu.memory_space<semaphore_mem>>)
      %scan3A_71 = arith.constant 0 : i32
      %scan3A_72 = arith.constant 0 : i32
      %scan3A_73 = arith.constant 64 : i32
      %scan3A_74 = arith.addi %scan3A_72, %scan3A_73 : i32
      %scan3A_75 = arith.constant 1 : i32
      scf.for %scan3A_77 = %scan3A_72 to %scan3A_74 step %scan3A_75  : i32 {
        %mul3A_78 = arith.constant 2 : i32
        %mul3A_79 = arith.muli %scan3A_77, %mul3A_78 : i32
        %add3A_80 = arith.constant 0 : i32
        %add3A_81 = arith.addi %mul3A_79, %add3A_80 : i32
        %add3A_82 = arith.constant 1 : i32
        %add3A_83 = arith.addi %add3A_81, %add3A_82 : i32
        %lt3A_84 = arith.constant 128 : i32
        %lt3A_85 = arith.cmpi slt, %add3A_83, %lt3A_84 : i32
        %convert_element_type3A_86 = arith.extui %lt3A_85 : i1 to i32
        %cond3A_87 = arith.constant 0 : i32
        %cond3A_88 = arith.cmpi ne, %convert_element_type3A_86, %cond3A_87 : i32
        scf.if %cond3A_88 {
          %add3A_241 = arith.constant 1 : i32
          %add3A_242 = arith.addi %add3A_81, %add3A_241 : i32
          %dma_start3A_243 = arith.constant 0 : i32
          %dma_start3A_244 = arith.constant 0 : i32
          %dma_start3A_245 = arith.constant 0 : i32
          %dma_start3A_246 = tpu.memref_slice %arg8[%dma_start3A_244, %dma_start3A_245] : memref<200x128xf32, #tpu.memory_space<vmem>> -> memref<100x128xf32, #tpu.memory_space<vmem>>
          %dma_start3A_247 = arith.constant 0 : i32
          %dma_start3A_248 = tpu.memref_slice %arg6[%add3A_242, %dma_start3A_243, %dma_start3A_247] : memref<128x2x100xi32, #tpu.memory_space<vmem>> -> memref<1x1x100xi32, #tpu.memory_space<vmem>>
          %dma_start3A_249 = tpu.memref_squeeze %dma_start3A_248 : memref<1x1x100xi32, #tpu.memory_space<vmem>> -> memref<100xi32, #tpu.memory_space<vmem>>
          %dma_start3A_250 = arith.constant 0 : i32
          %dma_start3A_251 = arith.constant 0 : i32
          %dma_start3A_252 = tpu.memref_slice %arg4[%dma_start3A_250, %dma_start3A_251] : memref<1000000x128xf32, #tpu.memory_space<hbm>> -> memref<1000000x128xf32, #tpu.memory_space<hbm>>
          tpu.enqueue_indirect_dma source(%dma_start3A_252 : memref<1000000x128xf32, #tpu.memory_space<hbm>>) target(%dma_start3A_246 : memref<100x128xf32, #tpu.memory_space<vmem>>) offsets(%dma_start3A_249 : memref<100xi32, #tpu.memory_space<vmem>>) semaphore(%arg11 : memref<!tpu.dma_semaphore, #tpu.memory_space<semaphore_mem>>)
          %add3A_253 = arith.constant 1 : i32
          %add3A_254 = arith.addi %add3A_81, %add3A_253 : i32
          %dma_start3A_255 = arith.constant 1 : i32
          %dma_start3A_256 = arith.constant 100 : i32
          %dma_start3A_257 = arith.constant 0 : i32
          %dma_start3A_258 = tpu.memref_slice %arg8[%dma_start3A_256, %dma_start3A_257] : memref<200x128xf32, #tpu.memory_space<vmem>> -> memref<100x128xf32, #tpu.memory_space<vmem>>
          %dma_start3A_259 = arith.constant 0 : i32
          %dma_start3A_260 = tpu.memref_slice %arg6[%add3A_254, %dma_start3A_255, %dma_start3A_259] : memref<128x2x100xi32, #tpu.memory_space<vmem>> -> memref<1x1x100xi32, #tpu.memory_space<vmem>>
          %dma_start3A_261 = tpu.memref_squeeze %dma_start3A_260 : memref<1x1x100xi32, #tpu.memory_space<vmem>> -> memref<100xi32, #tpu.memory_space<vmem>>
          %dma_start3A_262 = arith.constant 0 : i32
          %dma_start3A_263 = arith.constant 0 : i32
          %dma_start3A_264 = tpu.memref_slice %arg4[%dma_start3A_262, %dma_start3A_263] : memref<1000000x128xf32, #tpu.memory_space<hbm>> -> memref<1000000x128xf32, #tpu.memory_space<hbm>>
          tpu.enqueue_indirect_dma source(%dma_start3A_264 : memref<1000000x128xf32, #tpu.memory_space<hbm>>) target(%dma_start3A_258 : memref<100x128xf32, #tpu.memory_space<vmem>>) offsets(%dma_start3A_261 : memref<100xi32, #tpu.memory_space<vmem>>) semaphore(%arg11 : memref<!tpu.dma_semaphore, #tpu.memory_space<semaphore_mem>>)
        } else {
        }
        %dma_wait3A = arith.constant 0 : i32
        %dma_wait3A_89 = arith.constant 0 : i32
        %dma_wait3A_90 = arith.constant 0 : i32
        %dma_wait3A_91 = tpu.memref_slice %arg7[%dma_wait3A_89, %dma_wait3A_90] : memref<200x128xf32, #tpu.memory_space<vmem>> -> memref<100x128xf32, #tpu.memory_space<vmem>>
        %dma_wait3A_92 = arith.constant 0 : i32
        %dma_wait3A_93 = tpu.memref_slice %arg6[%add3A_81, %dma_wait3A, %dma_wait3A_92] : memref<128x2x100xi32, #tpu.memory_space<vmem>> -> memref<1x1x100xi32, #tpu.memory_space<vmem>>
        %dma_wait3A_94 = tpu.memref_squeeze %dma_wait3A_93 : memref<1x1x100xi32, #tpu.memory_space<vmem>> -> memref<100xi32, #tpu.memory_space<vmem>>
        %dma_wait3A_95 = arith.constant 0 : i32
        %dma_wait3A_96 = arith.constant 0 : i32
        %dma_wait3A_97 = tpu.memref_slice %arg4[%dma_wait3A_95, %dma_wait3A_96] : memref<1000000x128xf32, #tpu.memory_space<hbm>> -> memref<1000000x128xf32, #tpu.memory_space<hbm>>
        tpu.wait_indirect_dma semaphore(%arg10 : memref<!tpu.dma_semaphore, #tpu.memory_space<semaphore_mem>>) src(%dma_wait3A_97 : memref<1000000x128xf32, #tpu.memory_space<hbm>>) dst(%dma_wait3A_91 : memref<100x128xf32, #tpu.memory_space<vmem>>)
        %dma_wait3A_98 = arith.constant 1 : i32
        %dma_wait3A_99 = arith.constant 100 : i32
        %dma_wait3A_100 = arith.constant 0 : i32
        %dma_wait3A_101 = tpu.memref_slice %arg7[%dma_wait3A_99, %dma_wait3A_100] : memref<200x128xf32, #tpu.memory_space<vmem>> -> memref<100x128xf32, #tpu.memory_space<vmem>>
        %dma_wait3A_102 = arith.constant 0 : i32
        %dma_wait3A_103 = tpu.memref_slice %arg6[%add3A_81, %dma_wait3A_98, %dma_wait3A_102] : memref<128x2x100xi32, #tpu.memory_space<vmem>> -> memref<1x1x100xi32, #tpu.memory_space<vmem>>
        %dma_wait3A_104 = tpu.memref_squeeze %dma_wait3A_103 : memref<1x1x100xi32, #tpu.memory_space<vmem>> -> memref<100xi32, #tpu.memory_space<vmem>>
        %dma_wait3A_105 = arith.constant 0 : i32
        %dma_wait3A_106 = arith.constant 0 : i32
        %dma_wait3A_107 = tpu.memref_slice %arg4[%dma_wait3A_105, %dma_wait3A_106] : memref<1000000x128xf32, #tpu.memory_space<hbm>> -> memref<1000000x128xf32, #tpu.memory_space<hbm>>
        tpu.wait_indirect_dma semaphore(%arg10 : memref<!tpu.dma_semaphore, #tpu.memory_space<semaphore_mem>>) src(%dma_wait3A_107 : memref<1000000x128xf32, #tpu.memory_space<hbm>>) dst(%dma_wait3A_101 : memref<100x128xf32, #tpu.memory_space<vmem>>)
        %broadcast_in_dim3A = arith.constant 0.000000e+00 : f32
        %broadcast_in_dim3A_108 = vector.broadcast %broadcast_in_dim3A : f32 to vector<16xf32>
        %scan3A_109 = arith.constant 0 : i32
        %scan3A_110 = arith.constant 50 : i32
        %scan3A_111 = arith.addi %scan3A_109, %scan3A_110 : i32
        %scan3A_112 = arith.constant 1 : i32
        %scan3A_113:16 = scf.for %scan3A_241 = %scan3A_109 to %scan3A_111 step %scan3A_112 iter_args(%scan3A_242 = %broadcast_in_dim3A_108, %scan3A_243 = %broadcast_in_dim3A_108, %scan3A_244 = %broadcast_in_dim3A_108, %scan3A_245 = %broadcast_in_dim3A_108, %scan3A_246 = %broadcast_in_dim3A_108, %scan3A_247 = %broadcast_in_dim3A_108, %scan3A_248 = %broadcast_in_dim3A_108, %scan3A_249 = %broadcast_in_dim3A_108, %scan3A_250 = %broadcast_in_dim3A_108, %scan3A_251 = %broadcast_in_dim3A_108, %scan3A_252 = %broadcast_in_dim3A_108, %scan3A_253 = %broadcast_in_dim3A_108, %scan3A_254 = %broadcast_in_dim3A_108, %scan3A_255 = %broadcast_in_dim3A_108, %scan3A_256 = %broadcast_in_dim3A_108, %scan3A_257 = %broadcast_in_dim3A_108) -> (vector<16xf32>, vector<16xf32>, vector<16xf32>, vector<16xf32>, vector<16xf32>, vector<16xf32>, vector<16xf32>, vector<16xf32>, vector<16xf32>, vector<16xf32>, vector<16xf32>, vector<16xf32>, vector<16xf32>, vector<16xf32>, vector<16xf32>, vector<16xf32>)  : i32 {
          %mul3A_258 = arith.constant 4 : i32
          %mul3A_259 = arith.muli %scan3A_241, %mul3A_258 : i32
          %add3A_260 = arith.constant 0 : i32
          %add3A_261 = arith.addi %mul3A_259, %add3A_260 : i32
          %get3A = arith.index_cast %add3A_261 : i32 to index
          %get3A_262 = arith.constant 0 : index
          %get3A_263 = tpu.vector_load %arg7[%get3A, %get3A_262] {strides = array<i32>} : memref<200x128xf32, #tpu.memory_space<vmem>>, vector<1x16xf32>,
          %get3A_264 = vector.shape_cast %get3A_263 : vector<1x16xf32> to vector<16xf32>
          %add3A_265 = arith.addf %scan3A_242, %get3A_264 : vector<16xf32>
          %get3A_266 = arith.index_cast %add3A_261 : i32 to index
          %get3A_267 = arith.constant 16 : index
          %get3A_268 = tpu.vector_load %arg7[%get3A_266, %get3A_267] {strides = array<i32>} : memref<200x128xf32, #tpu.memory_space<vmem>>, vector<1x16xf32>,
          %get3A_269 = vector.shape_cast %get3A_268 : vector<1x16xf32> to vector<16xf32>
          %add3A_270 = arith.addf %scan3A_243, %get3A_269 : vector<16xf32>
          %get3A_271 = arith.index_cast %add3A_261 : i32 to index
          %get3A_272 = arith.constant 32 : index
          %get3A_273 = tpu.vector_load %arg7[%get3A_271, %get3A_272] {strides = array<i32>} : memref<200x128xf32, #tpu.memory_space<vmem>>, vector<1x16xf32>,
          %get3A_274 = vector.shape_cast %get3A_273 : vector<1x16xf32> to vector<16xf32>
          %add3A_275 = arith.addf %scan3A_244, %get3A_274 : vector<16xf32>
          %get3A_276 = arith.index_cast %add3A_261 : i32 to index
          %get3A_277 = arith.constant 48 : index
          %get3A_278 = tpu.vector_load %arg7[%get3A_276, %get3A_277] {strides = array<i32>} : memref<200x128xf32, #tpu.memory_space<vmem>>, vector<1x16xf32>,
          %get3A_279 = vector.shape_cast %get3A_278 : vector<1x16xf32> to vector<16xf32>
          %add3A_280 = arith.addf %scan3A_245, %get3A_279 : vector<16xf32>
          %mul3A_281 = arith.constant 4 : i32
          %mul3A_282 = arith.muli %scan3A_241, %mul3A_281 : i32
          %add3A_283 = arith.constant 1 : i32
          %add3A_284 = arith.addi %mul3A_282, %add3A_283 : i32
          %get3A_285 = arith.index_cast %add3A_284 : i32 to index
          %get3A_286 = arith.constant 0 : index
          %get3A_287 = tpu.vector_load %arg7[%get3A_285, %get3A_286] {strides = array<i32>} : memref<200x128xf32, #tpu.memory_space<vmem>>, vector<1x16xf32>,
          %get3A_288 = vector.shape_cast %get3A_287 : vector<1x16xf32> to vector<16xf32>
          %add3A_289 = arith.addf %scan3A_246, %get3A_288 : vector<16xf32>
          %get3A_290 = arith.index_cast %add3A_284 : i32 to index
          %get3A_291 = arith.constant 16 : index
          %get3A_292 = tpu.vector_load %arg7[%get3A_290, %get3A_291] {strides = array<i32>} : memref<200x128xf32, #tpu.memory_space<vmem>>, vector<1x16xf32>,
          %get3A_293 = vector.shape_cast %get3A_292 : vector<1x16xf32> to vector<16xf32>
          %add3A_294 = arith.addf %scan3A_247, %get3A_293 : vector<16xf32>
          %get3A_295 = arith.index_cast %add3A_284 : i32 to index
          %get3A_296 = arith.constant 32 : index
          %get3A_297 = tpu.vector_load %arg7[%get3A_295, %get3A_296] {strides = array<i32>} : memref<200x128xf32, #tpu.memory_space<vmem>>, vector<1x16xf32>,
          %get3A_298 = vector.shape_cast %get3A_297 : vector<1x16xf32> to vector<16xf32>
          %add3A_299 = arith.addf %scan3A_248, %get3A_298 : vector<16xf32>
          %get3A_300 = arith.index_cast %add3A_284 : i32 to index
          %get3A_301 = arith.constant 48 : index
          %get3A_302 = tpu.vector_load %arg7[%get3A_300, %get3A_301] {strides = array<i32>} : memref<200x128xf32, #tpu.memory_space<vmem>>, vector<1x16xf32>,
          %get3A_303 = vector.shape_cast %get3A_302 : vector<1x16xf32> to vector<16xf32>
          %add3A_304 = arith.addf %scan3A_249, %get3A_303 : vector<16xf32>
          %mul3A_305 = arith.constant 4 : i32
          %mul3A_306 = arith.muli %scan3A_241, %mul3A_305 : i32
          %add3A_307 = arith.constant 2 : i32
          %add3A_308 = arith.addi %mul3A_306, %add3A_307 : i32
          %get3A_309 = arith.index_cast %add3A_308 : i32 to index
          %get3A_310 = arith.constant 0 : index
          %get3A_311 = tpu.vector_load %arg7[%get3A_309, %get3A_310] {strides = array<i32>} : memref<200x128xf32, #tpu.memory_space<vmem>>, vector<1x16xf32>,
          %get3A_312 = vector.shape_cast %get3A_311 : vector<1x16xf32> to vector<16xf32>
          %add3A_313 = arith.addf %scan3A_250, %get3A_312 : vector<16xf32>
          %get3A_314 = arith.index_cast %add3A_308 : i32 to index
          %get3A_315 = arith.constant 16 : index
          %get3A_316 = tpu.vector_load %arg7[%get3A_314, %get3A_315] {strides = array<i32>} : memref<200x128xf32, #tpu.memory_space<vmem>>, vector<1x16xf32>,
          %get3A_317 = vector.shape_cast %get3A_316 : vector<1x16xf32> to vector<16xf32>
          %add3A_318 = arith.addf %scan3A_251, %get3A_317 : vector<16xf32>
          %get3A_319 = arith.index_cast %add3A_308 : i32 to index
          %get3A_320 = arith.constant 32 : index
          %get3A_321 = tpu.vector_load %arg7[%get3A_319, %get3A_320] {strides = array<i32>} : memref<200x128xf32, #tpu.memory_space<vmem>>, vector<1x16xf32>,
          %get3A_322 = vector.shape_cast %get3A_321 : vector<1x16xf32> to vector<16xf32>
          %add3A_323 = arith.addf %scan3A_252, %get3A_322 : vector<16xf32>
          %get3A_324 = arith.index_cast %add3A_308 : i32 to index
          %get3A_325 = arith.constant 48 : index
          %get3A_326 = tpu.vector_load %arg7[%get3A_324, %get3A_325] {strides = array<i32>} : memref<200x128xf32, #tpu.memory_space<vmem>>, vector<1x16xf32>,
          %get3A_327 = vector.shape_cast %get3A_326 : vector<1x16xf32> to vector<16xf32>
          %add3A_328 = arith.addf %scan3A_253, %get3A_327 : vector<16xf32>
          %mul3A_329 = arith.constant 4 : i32
          %mul3A_330 = arith.muli %scan3A_241, %mul3A_329 : i32
          %add3A_331 = arith.constant 3 : i32
          %add3A_332 = arith.addi %mul3A_330, %add3A_331 : i32
          %get3A_333 = arith.index_cast %add3A_332 : i32 to index
          %get3A_334 = arith.constant 0 : index
          %get3A_335 = tpu.vector_load %arg7[%get3A_333, %get3A_334] {strides = array<i32>} : memref<200x128xf32, #tpu.memory_space<vmem>>, vector<1x16xf32>,
          %get3A_336 = vector.shape_cast %get3A_335 : vector<1x16xf32> to vector<16xf32>
          %add3A_337 = arith.addf %scan3A_254, %get3A_336 : vector<16xf32>
          %get3A_338 = arith.index_cast %add3A_332 : i32 to index
          %get3A_339 = arith.constant 16 : index
          %get3A_340 = tpu.vector_load %arg7[%get3A_338, %get3A_339] {strides = array<i32>} : memref<200x128xf32, #tpu.memory_space<vmem>>, vector<1x16xf32>,
          %get3A_341 = vector.shape_cast %get3A_340 : vector<1x16xf32> to vector<16xf32>
          %add3A_342 = arith.addf %scan3A_255, %get3A_341 : vector<16xf32>
          %get3A_343 = arith.index_cast %add3A_332 : i32 to index
          %get3A_344 = arith.constant 32 : index
          %get3A_345 = tpu.vector_load %arg7[%get3A_343, %get3A_344] {strides = array<i32>} : memref<200x128xf32, #tpu.memory_space<vmem>>, vector<1x16xf32>,
          %get3A_346 = vector.shape_cast %get3A_345 : vector<1x16xf32> to vector<16xf32>
          %add3A_347 = arith.addf %scan3A_256, %get3A_346 : vector<16xf32>
          %get3A_348 = arith.index_cast %add3A_332 : i32 to index
          %get3A_349 = arith.constant 48 : index
          %get3A_350 = tpu.vector_load %arg7[%get3A_348, %get3A_349] {strides = array<i32>} : memref<200x128xf32, #tpu.memory_space<vmem>>, vector<1x16xf32>,
          %get3A_351 = vector.shape_cast %get3A_350 : vector<1x16xf32> to vector<16xf32>
          %add3A_352 = arith.addf %scan3A_257, %get3A_351 : vector<16xf32>
          scf.yield %add3A_265, %add3A_270, %add3A_275, %add3A_280, %add3A_289, %add3A_294, %add3A_299, %add3A_304, %add3A_313, %add3A_318, %add3A_323, %add3A_328, %add3A_337, %add3A_342, %add3A_347, %add3A_352 : vector<16xf32>, vector<16xf32>, vector<16xf32>, vector<16xf32>, vector<16xf32>, vector<16xf32>, vector<16xf32>, vector<16xf32>, vector<16xf32>, vector<16xf32>, vector<16xf32>, vector<16xf32>, vector<16xf32>, vector<16xf32>, vector<16xf32>, vector<16xf32>
        }
        %scan3A_114 = arith.constant 50 : i32
        %add3A_115 = arith.addf %scan3A_113#0, %scan3A_113#4 : vector<16xf32>
        %add3A_116 = arith.addf %add3A_115, %scan3A_113#8 : vector<16xf32>
        %add3A_117 = arith.addf %add3A_116, %scan3A_113#12 : vector<16xf32>
        %mul3A_118 = arith.constant 5.000000e-03 : f32
        %mul3A_119 = vector.broadcast %mul3A_118 : f32 to vector<16xf32>
        %mul3A_120 = arith.mulf %add3A_117, %mul3A_119 : vector<16xf32>
        %swap3A = arith.index_cast %add3A_81 : i32 to index
        %swap3A_121 = arith.constant 0 : index
        %swap3A_122 = tpu.vector_load %arg9[%swap3A, %swap3A_121] {strides = array<i32>} : memref<128x64xf32, #tpu.memory_space<vmem>>, vector<1x16xf32>,
        %swap3A_123 = vector.shape_cast %swap3A_122 : vector<1x16xf32> to vector<16xf32>
        %swap3A_124 = vector.shape_cast %mul3A_120 : vector<16xf32> to vector<1x16xf32>
        tpu.vector_store %arg9[%swap3A, %swap3A_121], %swap3A_124 {strides = array<i32>} : memref<128x64xf32, #tpu.memory_space<vmem>>, vector<1x16xf32>,
        %add3A_125 = arith.addf %scan3A_113#1, %scan3A_113#5 : vector<16xf32>
        %add3A_126 = arith.addf %add3A_125, %scan3A_113#9 : vector<16xf32>
        %add3A_127 = arith.addf %add3A_126, %scan3A_113#13 : vector<16xf32>
        %mul3A_128 = arith.constant 5.000000e-03 : f32
        %mul3A_129 = vector.broadcast %mul3A_128 : f32 to vector<16xf32>
        %mul3A_130 = arith.mulf %add3A_127, %mul3A_129 : vector<16xf32>
        %swap3A_131 = arith.index_cast %add3A_81 : i32 to index
        %swap3A_132 = arith.constant 16 : index
        %swap3A_133 = tpu.vector_load %arg9[%swap3A_131, %swap3A_132] {strides = array<i32>} : memref<128x64xf32, #tpu.memory_space<vmem>>, vector<1x16xf32>,
        %swap3A_134 = vector.shape_cast %swap3A_133 : vector<1x16xf32> to vector<16xf32>
        %swap3A_135 = vector.shape_cast %mul3A_130 : vector<16xf32> to vector<1x16xf32>
        tpu.vector_store %arg9[%swap3A_131, %swap3A_132], %swap3A_135 {strides = array<i32>} : memref<128x64xf32, #tpu.memory_space<vmem>>, vector<1x16xf32>,
        %add3A_136 = arith.addf %scan3A_113#2, %scan3A_113#6 : vector<16xf32>
        %add3A_137 = arith.addf %add3A_136, %scan3A_113#10 : vector<16xf32>
        %add3A_138 = arith.addf %add3A_137, %scan3A_113#14 : vector<16xf32>
        %mul3A_139 = arith.constant 5.000000e-03 : f32
        %mul3A_140 = vector.broadcast %mul3A_139 : f32 to vector<16xf32>
        %mul3A_141 = arith.mulf %add3A_138, %mul3A_140 : vector<16xf32>
        %swap3A_142 = arith.index_cast %add3A_81 : i32 to index
        %swap3A_143 = arith.constant 32 : index
        %swap3A_144 = tpu.vector_load %arg9[%swap3A_142, %swap3A_143] {strides = array<i32>} : memref<128x64xf32, #tpu.memory_space<vmem>>, vector<1x16xf32>,
        %swap3A_145 = vector.shape_cast %swap3A_144 : vector<1x16xf32> to vector<16xf32>
        %swap3A_146 = vector.shape_cast %mul3A_141 : vector<16xf32> to vector<1x16xf32>
        tpu.vector_store %arg9[%swap3A_142, %swap3A_143], %swap3A_146 {strides = array<i32>} : memref<128x64xf32, #tpu.memory_space<vmem>>, vector<1x16xf32>,
        %add3A_147 = arith.addf %scan3A_113#3, %scan3A_113#7 : vector<16xf32>
        %add3A_148 = arith.addf %add3A_147, %scan3A_113#11 : vector<16xf32>
        %add3A_149 = arith.addf %add3A_148, %scan3A_113#15 : vector<16xf32>
        %mul3A_150 = arith.constant 5.000000e-03 : f32
        %mul3A_151 = vector.broadcast %mul3A_150 : f32 to vector<16xf32>
        %mul3A_152 = arith.mulf %add3A_149, %mul3A_151 : vector<16xf32>
        %swap3A_153 = arith.index_cast %add3A_81 : i32 to index
        %swap3A_154 = arith.constant 48 : index
        %swap3A_155 = tpu.vector_load %arg9[%swap3A_153, %swap3A_154] {strides = array<i32>} : memref<128x64xf32, #tpu.memory_space<vmem>>, vector<1x16xf32>,
        %swap3A_156 = vector.shape_cast %swap3A_155 : vector<1x16xf32> to vector<16xf32>
        %swap3A_157 = vector.shape_cast %mul3A_152 : vector<16xf32> to vector<1x16xf32>
        tpu.vector_store %arg9[%swap3A_153, %swap3A_154], %swap3A_157 {strides = array<i32>} : memref<128x64xf32, #tpu.memory_space<vmem>>, vector<1x16xf32>,
        %mul3A_158 = arith.constant 2 : i32
        %mul3A_159 = arith.muli %scan3A_77, %mul3A_158 : i32
        %add3A_160 = arith.constant 1 : i32
        %add3A_161 = arith.addi %mul3A_159, %add3A_160 : i32
        %add3A_162 = arith.constant 1 : i32
        %add3A_163 = arith.addi %add3A_161, %add3A_162 : i32
        %lt3A_164 = arith.constant 128 : i32
        %lt3A_165 = arith.cmpi slt, %add3A_163, %lt3A_164 : i32
        %convert_element_type3A_166 = arith.extui %lt3A_165 : i1 to i32
        %cond3A_167 = arith.constant 0 : i32
        %cond3A_168 = arith.cmpi ne, %convert_element_type3A_166, %cond3A_167 : i32
        scf.if %cond3A_168 {
          %add3A_241 = arith.constant 1 : i32
          %add3A_242 = arith.addi %add3A_161, %add3A_241 : i32
          %dma_start3A_243 = arith.constant 0 : i32
          %dma_start3A_244 = arith.constant 0 : i32
          %dma_start3A_245 = arith.constant 0 : i32
          %dma_start3A_246 = tpu.memref_slice %arg7[%dma_start3A_244, %dma_start3A_245] : memref<200x128xf32, #tpu.memory_space<vmem>> -> memref<100x128xf32, #tpu.memory_space<vmem>>
          %dma_start3A_247 = arith.constant 0 : i32
          %dma_start3A_248 = tpu.memref_slice %arg6[%add3A_242, %dma_start3A_243, %dma_start3A_247] : memref<128x2x100xi32, #tpu.memory_space<vmem>> -> memref<1x1x100xi32, #tpu.memory_space<vmem>>
          %dma_start3A_249 = tpu.memref_squeeze %dma_start3A_248 : memref<1x1x100xi32, #tpu.memory_space<vmem>> -> memref<100xi32, #tpu.memory_space<vmem>>
          %dma_start3A_250 = arith.constant 0 : i32
          %dma_start3A_251 = arith.constant 0 : i32
          %dma_start3A_252 = tpu.memref_slice %arg4[%dma_start3A_250, %dma_start3A_251] : memref<1000000x128xf32, #tpu.memory_space<hbm>> -> memref<1000000x128xf32, #tpu.memory_space<hbm>>
          tpu.enqueue_indirect_dma source(%dma_start3A_252 : memref<1000000x128xf32, #tpu.memory_space<hbm>>) target(%dma_start3A_246 : memref<100x128xf32, #tpu.memory_space<vmem>>) offsets(%dma_start3A_249 : memref<100xi32, #tpu.memory_space<vmem>>) semaphore(%arg10 : memref<!tpu.dma_semaphore, #tpu.memory_space<semaphore_mem>>)
          %add3A_253 = arith.constant 1 : i32
          %add3A_254 = arith.addi %add3A_161, %add3A_253 : i32
          %dma_start3A_255 = arith.constant 1 : i32
          %dma_start3A_256 = arith.constant 100 : i32
          %dma_start3A_257 = arith.constant 0 : i32
          %dma_start3A_258 = tpu.memref_slice %arg7[%dma_start3A_256, %dma_start3A_257] : memref<200x128xf32, #tpu.memory_space<vmem>> -> memref<100x128xf32, #tpu.memory_space<vmem>>
          %dma_start3A_259 = arith.constant 0 : i32
          %dma_start3A_260 = tpu.memref_slice %arg6[%add3A_254, %dma_start3A_255, %dma_start3A_259] : memref<128x2x100xi32, #tpu.memory_space<vmem>> -> memref<1x1x100xi32, #tpu.memory_space<vmem>>
          %dma_start3A_261 = tpu.memref_squeeze %dma_start3A_260 : memref<1x1x100xi32, #tpu.memory_space<vmem>> -> memref<100xi32, #tpu.memory_space<vmem>>
          %dma_start3A_262 = arith.constant 0 : i32
          %dma_start3A_263 = arith.constant 0 : i32
          %dma_start3A_264 = tpu.memref_slice %arg4[%dma_start3A_262, %dma_start3A_263] : memref<1000000x128xf32, #tpu.memory_space<hbm>> -> memref<1000000x128xf32, #tpu.memory_space<hbm>>
          tpu.enqueue_indirect_dma source(%dma_start3A_264 : memref<1000000x128xf32, #tpu.memory_space<hbm>>) target(%dma_start3A_258 : memref<100x128xf32, #tpu.memory_space<vmem>>) offsets(%dma_start3A_261 : memref<100xi32, #tpu.memory_space<vmem>>) semaphore(%arg10 : memref<!tpu.dma_semaphore, #tpu.memory_space<semaphore_mem>>)
        } else {
        }
        %dma_wait3A_169 = arith.constant 0 : i32
        %dma_wait3A_170 = arith.constant 0 : i32
        %dma_wait3A_171 = arith.constant 0 : i32
        %dma_wait3A_172 = tpu.memref_slice %arg8[%dma_wait3A_170, %dma_wait3A_171] : memref<200x128xf32, #tpu.memory_space<vmem>> -> memref<100x128xf32, #tpu.memory_space<vmem>>
        %dma_wait3A_173 = arith.constant 0 : i32
        %dma_wait3A_174 = tpu.memref_slice %arg6[%add3A_161, %dma_wait3A_169, %dma_wait3A_173] : memref<128x2x100xi32, #tpu.memory_space<vmem>> -> memref<1x1x100xi32, #tpu.memory_space<vmem>>
        %dma_wait3A_175 = tpu.memref_squeeze %dma_wait3A_174 : memref<1x1x100xi32, #tpu.memory_space<vmem>> -> memref<100xi32, #tpu.memory_space<vmem>>
        %dma_wait3A_176 = arith.constant 0 : i32
        %dma_wait3A_177 = arith.constant 0 : i32
        %dma_wait3A_178 = tpu.memref_slice %arg4[%dma_wait3A_176, %dma_wait3A_177] : memref<1000000x128xf32, #tpu.memory_space<hbm>> -> memref<1000000x128xf32, #tpu.memory_space<hbm>>
        tpu.wait_indirect_dma semaphore(%arg11 : memref<!tpu.dma_semaphore, #tpu.memory_space<semaphore_mem>>) src(%dma_wait3A_178 : memref<1000000x128xf32, #tpu.memory_space<hbm>>) dst(%dma_wait3A_172 : memref<100x128xf32, #tpu.memory_space<vmem>>)
        %dma_wait3A_179 = arith.constant 1 : i32
        %dma_wait3A_180 = arith.constant 100 : i32
        %dma_wait3A_181 = arith.constant 0 : i32
        %dma_wait3A_182 = tpu.memref_slice %arg8[%dma_wait3A_180, %dma_wait3A_181] : memref<200x128xf32, #tpu.memory_space<vmem>> -> memref<100x128xf32, #tpu.memory_space<vmem>>
        %dma_wait3A_183 = arith.constant 0 : i32
        %dma_wait3A_184 = tpu.memref_slice %arg6[%add3A_161, %dma_wait3A_179, %dma_wait3A_183] : memref<128x2x100xi32, #tpu.memory_space<vmem>> -> memref<1x1x100xi32, #tpu.memory_space<vmem>>
        %dma_wait3A_185 = tpu.memref_squeeze %dma_wait3A_184 : memref<1x1x100xi32, #tpu.memory_space<vmem>> -> memref<100xi32, #tpu.memory_space<vmem>>
        %dma_wait3A_186 = arith.constant 0 : i32
        %dma_wait3A_187 = arith.constant 0 : i32
        %dma_wait3A_188 = tpu.memref_slice %arg4[%dma_wait3A_186, %dma_wait3A_187] : memref<1000000x128xf32, #tpu.memory_space<hbm>> -> memref<1000000x128xf32, #tpu.memory_space<hbm>>
        tpu.wait_indirect_dma semaphore(%arg11 : memref<!tpu.dma_semaphore, #tpu.memory_space<semaphore_mem>>) src(%dma_wait3A_188 : memref<1000000x128xf32, #tpu.memory_space<hbm>>) dst(%dma_wait3A_182 : memref<100x128xf32, #tpu.memory_space<vmem>>)
        %broadcast_in_dim3A_189 = arith.constant 0.000000e+00 : f32
        %broadcast_in_dim3A_190 = vector.broadcast %broadcast_in_dim3A_189 : f32 to vector<16xf32>
        %scan3A_191 = arith.constant 0 : i32
        %scan3A_192 = arith.constant 50 : i32
        %scan3A_193 = arith.addi %scan3A_191, %scan3A_192 : i32
        %scan3A_194 = arith.constant 1 : i32
        %scan3A_195:16 = scf.for %scan3A_241 = %scan3A_191 to %scan3A_193 step %scan3A_194 iter_args(%scan3A_242 = %broadcast_in_dim3A_190, %scan3A_243 = %broadcast_in_dim3A_190, %scan3A_244 = %broadcast_in_dim3A_190, %scan3A_245 = %broadcast_in_dim3A_190, %scan3A_246 = %broadcast_in_dim3A_190, %scan3A_247 = %broadcast_in_dim3A_190, %scan3A_248 = %broadcast_in_dim3A_190, %scan3A_249 = %broadcast_in_dim3A_190, %scan3A_250 = %broadcast_in_dim3A_190, %scan3A_251 = %broadcast_in_dim3A_190, %scan3A_252 = %broadcast_in_dim3A_190, %scan3A_253 = %broadcast_in_dim3A_190, %scan3A_254 = %broadcast_in_dim3A_190, %scan3A_255 = %broadcast_in_dim3A_190, %scan3A_256 = %broadcast_in_dim3A_190, %scan3A_257 = %broadcast_in_dim3A_190) -> (vector<16xf32>, vector<16xf32>, vector<16xf32>, vector<16xf32>, vector<16xf32>, vector<16xf32>, vector<16xf32>, vector<16xf32>, vector<16xf32>, vector<16xf32>, vector<16xf32>, vector<16xf32>, vector<16xf32>, vector<16xf32>, vector<16xf32>, vector<16xf32>)  : i32 {
          %mul3A_258 = arith.constant 4 : i32
          %mul3A_259 = arith.muli %scan3A_241, %mul3A_258 : i32
          %add3A_260 = arith.constant 0 : i32
          %add3A_261 = arith.addi %mul3A_259, %add3A_260 : i32
          %get3A = arith.index_cast %add3A_261 : i32 to index
          %get3A_262 = arith.constant 0 : index
          %get3A_263 = tpu.vector_load %arg8[%get3A, %get3A_262] {strides = array<i32>} : memref<200x128xf32, #tpu.memory_space<vmem>>, vector<1x16xf32>,
          %get3A_264 = vector.shape_cast %get3A_263 : vector<1x16xf32> to vector<16xf32>
          %add3A_265 = arith.addf %scan3A_242, %get3A_264 : vector<16xf32>
          %get3A_266 = arith.index_cast %add3A_261 : i32 to index
          %get3A_267 = arith.constant 16 : index
          %get3A_268 = tpu.vector_load %arg8[%get3A_266, %get3A_267] {strides = array<i32>} : memref<200x128xf32, #tpu.memory_space<vmem>>, vector<1x16xf32>,
          %get3A_269 = vector.shape_cast %get3A_268 : vector<1x16xf32> to vector<16xf32>
          %add3A_270 = arith.addf %scan3A_243, %get3A_269 : vector<16xf32>
          %get3A_271 = arith.index_cast %add3A_261 : i32 to index
          %get3A_272 = arith.constant 32 : index
          %get3A_273 = tpu.vector_load %arg8[%get3A_271, %get3A_272] {strides = array<i32>} : memref<200x128xf32, #tpu.memory_space<vmem>>, vector<1x16xf32>,
          %get3A_274 = vector.shape_cast %get3A_273 : vector<1x16xf32> to vector<16xf32>
          %add3A_275 = arith.addf %scan3A_244, %get3A_274 : vector<16xf32>
          %get3A_276 = arith.index_cast %add3A_261 : i32 to index
          %get3A_277 = arith.constant 48 : index
          %get3A_278 = tpu.vector_load %arg8[%get3A_276, %get3A_277] {strides = array<i32>} : memref<200x128xf32, #tpu.memory_space<vmem>>, vector<1x16xf32>,
          %get3A_279 = vector.shape_cast %get3A_278 : vector<1x16xf32> to vector<16xf32>
          %add3A_280 = arith.addf %scan3A_245, %get3A_279 : vector<16xf32>
          %mul3A_281 = arith.constant 4 : i32
          %mul3A_282 = arith.muli %scan3A_241, %mul3A_281 : i32
          %add3A_283 = arith.constant 1 : i32
          %add3A_284 = arith.addi %mul3A_282, %add3A_283 : i32
          %get3A_285 = arith.index_cast %add3A_284 : i32 to index
          %get3A_286 = arith.constant 0 : index
          %get3A_287 = tpu.vector_load %arg8[%get3A_285, %get3A_286] {strides = array<i32>} : memref<200x128xf32, #tpu.memory_space<vmem>>, vector<1x16xf32>,
          %get3A_288 = vector.shape_cast %get3A_287 : vector<1x16xf32> to vector<16xf32>
          %add3A_289 = arith.addf %scan3A_246, %get3A_288 : vector<16xf32>
          %get3A_290 = arith.index_cast %add3A_284 : i32 to index
          %get3A_291 = arith.constant 16 : index
          %get3A_292 = tpu.vector_load %arg8[%get3A_290, %get3A_291] {strides = array<i32>} : memref<200x128xf32, #tpu.memory_space<vmem>>, vector<1x16xf32>,
          %get3A_293 = vector.shape_cast %get3A_292 : vector<1x16xf32> to vector<16xf32>
          %add3A_294 = arith.addf %scan3A_247, %get3A_293 : vector<16xf32>
          %get3A_295 = arith.index_cast %add3A_284 : i32 to index
          %get3A_296 = arith.constant 32 : index
          %get3A_297 = tpu.vector_load %arg8[%get3A_295, %get3A_296] {strides = array<i32>} : memref<200x128xf32, #tpu.memory_space<vmem>>, vector<1x16xf32>,
          %get3A_298 = vector.shape_cast %get3A_297 : vector<1x16xf32> to vector<16xf32>
          %add3A_299 = arith.addf %scan3A_248, %get3A_298 : vector<16xf32>
          %get3A_300 = arith.index_cast %add3A_284 : i32 to index
          %get3A_301 = arith.constant 48 : index
          %get3A_302 = tpu.vector_load %arg8[%get3A_300, %get3A_301] {strides = array<i32>} : memref<200x128xf32, #tpu.memory_space<vmem>>, vector<1x16xf32>,
          %get3A_303 = vector.shape_cast %get3A_302 : vector<1x16xf32> to vector<16xf32>
          %add3A_304 = arith.addf %scan3A_249, %get3A_303 : vector<16xf32>
          %mul3A_305 = arith.constant 4 : i32
          %mul3A_306 = arith.muli %scan3A_241, %mul3A_305 : i32
          %add3A_307 = arith.constant 2 : i32
          %add3A_308 = arith.addi %mul3A_306, %add3A_307 : i32
          %get3A_309 = arith.index_cast %add3A_308 : i32 to index
          %get3A_310 = arith.constant 0 : index
          %get3A_311 = tpu.vector_load %arg8[%get3A_309, %get3A_310] {strides = array<i32>} : memref<200x128xf32, #tpu.memory_space<vmem>>, vector<1x16xf32>,
          %get3A_312 = vector.shape_cast %get3A_311 : vector<1x16xf32> to vector<16xf32>
          %add3A_313 = arith.addf %scan3A_250, %get3A_312 : vector<16xf32>
          %get3A_314 = arith.index_cast %add3A_308 : i32 to index
          %get3A_315 = arith.constant 16 : index
          %get3A_316 = tpu.vector_load %arg8[%get3A_314, %get3A_315] {strides = array<i32>} : memref<200x128xf32, #tpu.memory_space<vmem>>, vector<1x16xf32>,
          %get3A_317 = vector.shape_cast %get3A_316 : vector<1x16xf32> to vector<16xf32>
          %add3A_318 = arith.addf %scan3A_251, %get3A_317 : vector<16xf32>
          %get3A_319 = arith.index_cast %add3A_308 : i32 to index
          %get3A_320 = arith.constant 32 : index
          %get3A_321 = tpu.vector_load %arg8[%get3A_319, %get3A_320] {strides = array<i32>} : memref<200x128xf32, #tpu.memory_space<vmem>>, vector<1x16xf32>,
          %get3A_322 = vector.shape_cast %get3A_321 : vector<1x16xf32> to vector<16xf32>
          %add3A_323 = arith.addf %scan3A_252, %get3A_322 : vector<16xf32>
          %get3A_324 = arith.index_cast %add3A_308 : i32 to index
          %get3A_325 = arith.constant 48 : index
          %get3A_326 = tpu.vector_load %arg8[%get3A_324, %get3A_325] {strides = array<i32>} : memref<200x128xf32, #tpu.memory_space<vmem>>, vector<1x16xf32>,
          %get3A_327 = vector.shape_cast %get3A_326 : vector<1x16xf32> to vector<16xf32>
          %add3A_328 = arith.addf %scan3A_253, %get3A_327 : vector<16xf32>
          %mul3A_329 = arith.constant 4 : i32
          %mul3A_330 = arith.muli %scan3A_241, %mul3A_329 : i32
          %add3A_331 = arith.constant 3 : i32
          %add3A_332 = arith.addi %mul3A_330, %add3A_331 : i32
          %get3A_333 = arith.index_cast %add3A_332 : i32 to index
          %get3A_334 = arith.constant 0 : index
          %get3A_335 = tpu.vector_load %arg8[%get3A_333, %get3A_334] {strides = array<i32>} : memref<200x128xf32, #tpu.memory_space<vmem>>, vector<1x16xf32>,
          %get3A_336 = vector.shape_cast %get3A_335 : vector<1x16xf32> to vector<16xf32>
          %add3A_337 = arith.addf %scan3A_254, %get3A_336 : vector<16xf32>
          %get3A_338 = arith.index_cast %add3A_332 : i32 to index
          %get3A_339 = arith.constant 16 : index
          %get3A_340 = tpu.vector_load %arg8[%get3A_338, %get3A_339] {strides = array<i32>} : memref<200x128xf32, #tpu.memory_space<vmem>>, vector<1x16xf32>,
          %get3A_341 = vector.shape_cast %get3A_340 : vector<1x16xf32> to vector<16xf32>
          %add3A_342 = arith.addf %scan3A_255, %get3A_341 : vector<16xf32>
          %get3A_343 = arith.index_cast %add3A_332 : i32 to index
          %get3A_344 = arith.constant 32 : index
          %get3A_345 = tpu.vector_load %arg8[%get3A_343, %get3A_344] {strides = array<i32>} : memref<200x128xf32, #tpu.memory_space<vmem>>, vector<1x16xf32>,
          %get3A_346 = vector.shape_cast %get3A_345 : vector<1x16xf32> to vector<16xf32>
          %add3A_347 = arith.addf %scan3A_256, %get3A_346 : vector<16xf32>
          %get3A_348 = arith.index_cast %add3A_332 : i32 to index
          %get3A_349 = arith.constant 48 : index
          %get3A_350 = tpu.vector_load %arg8[%get3A_348, %get3A_349] {strides = array<i32>} : memref<200x128xf32, #tpu.memory_space<vmem>>, vector<1x16xf32>,
          %get3A_351 = vector.shape_cast %get3A_350 : vector<1x16xf32> to vector<16xf32>
          %add3A_352 = arith.addf %scan3A_257, %get3A_351 : vector<16xf32>
          scf.yield %add3A_265, %add3A_270, %add3A_275, %add3A_280, %add3A_289, %add3A_294, %add3A_299, %add3A_304, %add3A_313, %add3A_318, %add3A_323, %add3A_328, %add3A_337, %add3A_342, %add3A_347, %add3A_352 : vector<16xf32>, vector<16xf32>, vector<16xf32>, vector<16xf32>, vector<16xf32>, vector<16xf32>, vector<16xf32>, vector<16xf32>, vector<16xf32>, vector<16xf32>, vector<16xf32>, vector<16xf32>, vector<16xf32>, vector<16xf32>, vector<16xf32>, vector<16xf32>
        }
        %scan3A_196 = arith.constant 50 : i32
        %add3A_197 = arith.addf %scan3A_195#0, %scan3A_195#4 : vector<16xf32>
        %add3A_198 = arith.addf %add3A_197, %scan3A_195#8 : vector<16xf32>
        %add3A_199 = arith.addf %add3A_198, %scan3A_195#12 : vector<16xf32>
        %mul3A_200 = arith.constant 5.000000e-03 : f32
        %mul3A_201 = vector.broadcast %mul3A_200 : f32 to vector<16xf32>
        %mul3A_202 = arith.mulf %add3A_199, %mul3A_201 : vector<16xf32>
        %swap3A_203 = arith.index_cast %add3A_161 : i32 to index
        %swap3A_204 = arith.constant 0 : index
        %swap3A_205 = tpu.vector_load %arg9[%swap3A_203, %swap3A_204] {strides = array<i32>} : memref<128x64xf32, #tpu.memory_space<vmem>>, vector<1x16xf32>,
        %swap3A_206 = vector.shape_cast %swap3A_205 : vector<1x16xf32> to vector<16xf32>
        %swap3A_207 = vector.shape_cast %mul3A_202 : vector<16xf32> to vector<1x16xf32>
        tpu.vector_store %arg9[%swap3A_203, %swap3A_204], %swap3A_207 {strides = array<i32>} : memref<128x64xf32, #tpu.memory_space<vmem>>, vector<1x16xf32>,
        %add3A_208 = arith.addf %scan3A_195#1, %scan3A_195#5 : vector<16xf32>
        %add3A_209 = arith.addf %add3A_208, %scan3A_195#9 : vector<16xf32>
        %add3A_210 = arith.addf %add3A_209, %scan3A_195#13 : vector<16xf32>
        %mul3A_211 = arith.constant 5.000000e-03 : f32
        %mul3A_212 = vector.broadcast %mul3A_211 : f32 to vector<16xf32>
        %mul3A_213 = arith.mulf %add3A_210, %mul3A_212 : vector<16xf32>
        %swap3A_214 = arith.index_cast %add3A_161 : i32 to index
        %swap3A_215 = arith.constant 16 : index
        %swap3A_216 = tpu.vector_load %arg9[%swap3A_214, %swap3A_215] {strides = array<i32>} : memref<128x64xf32, #tpu.memory_space<vmem>>, vector<1x16xf32>,
        %swap3A_217 = vector.shape_cast %swap3A_216 : vector<1x16xf32> to vector<16xf32>
        %swap3A_218 = vector.shape_cast %mul3A_213 : vector<16xf32> to vector<1x16xf32>
        tpu.vector_store %arg9[%swap3A_214, %swap3A_215], %swap3A_218 {strides = array<i32>} : memref<128x64xf32, #tpu.memory_space<vmem>>, vector<1x16xf32>,
        %add3A_219 = arith.addf %scan3A_195#2, %scan3A_195#6 : vector<16xf32>
        %add3A_220 = arith.addf %add3A_219, %scan3A_195#10 : vector<16xf32>
        %add3A_221 = arith.addf %add3A_220, %scan3A_195#14 : vector<16xf32>
        %mul3A_222 = arith.constant 5.000000e-03 : f32
        %mul3A_223 = vector.broadcast %mul3A_222 : f32 to vector<16xf32>
        %mul3A_224 = arith.mulf %add3A_221, %mul3A_223 : vector<16xf32>
        %swap3A_225 = arith.index_cast %add3A_161 : i32 to index
        %swap3A_226 = arith.constant 32 : index
        %swap3A_227 = tpu.vector_load %arg9[%swap3A_225, %swap3A_226] {strides = array<i32>} : memref<128x64xf32, #tpu.memory_space<vmem>>, vector<1x16xf32>,
        %swap3A_228 = vector.shape_cast %swap3A_227 : vector<1x16xf32> to vector<16xf32>
        %swap3A_229 = vector.shape_cast %mul3A_224 : vector<16xf32> to vector<1x16xf32>
        tpu.vector_store %arg9[%swap3A_225, %swap3A_226], %swap3A_229 {strides = array<i32>} : memref<128x64xf32, #tpu.memory_space<vmem>>, vector<1x16xf32>,
        %add3A_230 = arith.addf %scan3A_195#3, %scan3A_195#7 : vector<16xf32>
        %add3A_231 = arith.addf %add3A_230, %scan3A_195#11 : vector<16xf32>
        %add3A_232 = arith.addf %add3A_231, %scan3A_195#15 : vector<16xf32>
        %mul3A_233 = arith.constant 5.000000e-03 : f32
        %mul3A_234 = vector.broadcast %mul3A_233 : f32 to vector<16xf32>
        %mul3A_235 = arith.mulf %add3A_232, %mul3A_234 : vector<16xf32>
        %swap3A_236 = arith.index_cast %add3A_161 : i32 to index
        %swap3A_237 = arith.constant 48 : index
        %swap3A_238 = tpu.vector_load %arg9[%swap3A_236, %swap3A_237] {strides = array<i32>} : memref<128x64xf32, #tpu.memory_space<vmem>>, vector<1x16xf32>,
        %swap3A_239 = vector.shape_cast %swap3A_238 : vector<1x16xf32> to vector<16xf32>
        %swap3A_240 = vector.shape_cast %mul3A_235 : vector<16xf32> to vector<1x16xf32>
        tpu.vector_store %arg9[%swap3A_236, %swap3A_237], %swap3A_240 {strides = array<i32>} : memref<128x64xf32, #tpu.memory_space<vmem>>, vector<1x16xf32>,
      }
      %scan3A_76 = arith.constant 64 : i32
      "tpu.region"() ({
        %run_scoped3A = tpu.sem_alloc : memref<!tpu.dma_semaphore, #tpu.memory_space<semaphore_mem>>
        %dma_start3A_77 = arith.constant 0 : i32
        %dma_start3A_78 = tpu.memref_slice %arg5[%select_n3A, %add3A_41, %dma_start3A_77] : memref<2x4096x64xf32, #tpu.memory_space<hbm>> -> memref<1x128x64xf32, #tpu.memory_space<hbm>>
        %dma_start3A_79 = tpu.memref_squeeze %dma_start3A_78 : memref<1x128x64xf32, #tpu.memory_space<hbm>> -> memref<128x64xf32, #tpu.memory_space<hbm>>
        %dma_start3A_80 = arith.constant 0 : i32
        %dma_start3A_81 = tpu.memref_slice %arg5[%select_n3A, %add3A_41, %dma_start3A_80] : memref<2x4096x64xf32, #tpu.memory_space<hbm>> -> memref<1x128x64xf32, #tpu.memory_space<hbm>>
        %dma_start3A_82 = tpu.memref_squeeze %dma_start3A_81 : memref<1x128x64xf32, #tpu.memory_space<hbm>> -> memref<128x64xf32, #tpu.memory_space<hbm>>
        tpu.enqueue_dma source(%arg9 : memref<128x64xf32, #tpu.memory_space<vmem>>) target(%dma_start3A_82 : memref<128x64xf32, #tpu.memory_space<hbm>>) target_semaphore(%run_scoped3A : memref<!tpu.dma_semaphore, #tpu.memory_space<semaphore_mem>>)
        %dma_wait3A = arith.constant 0 : i32
        %dma_wait3A_83 = tpu.memref_slice %arg5[%select_n3A, %add3A_41, %dma_wait3A] : memref<2x4096x64xf32, #tpu.memory_space<hbm>> -> memref<1x128x64xf32, #tpu.memory_space<hbm>>
        %dma_wait3A_84 = tpu.memref_squeeze %dma_wait3A_83 : memref<1x128x64xf32, #tpu.memory_space<hbm>> -> memref<128x64xf32, #tpu.memory_space<hbm>>
        %dma_wait3A_85 = arith.constant 0 : i32
        %dma_wait3A_86 = tpu.memref_slice %arg5[%select_n3A, %add3A_41, %dma_wait3A_85] : memref<2x4096x64xf32, #tpu.memory_space<hbm>> -> memref<1x128x64xf32, #tpu.memory_space<hbm>>
        %dma_wait3A_87 = tpu.memref_squeeze %dma_wait3A_86 : memref<1x128x64xf32, #tpu.memory_space<hbm>> -> memref<128x64xf32, #tpu.memory_space<hbm>>
        tpu.wait_dma2 semaphore(%run_scoped3A : memref<!tpu.dma_semaphore, #tpu.memory_space<semaphore_mem>>) src(%arg9 : memref<128x64xf32, #tpu.memory_space<vmem>>) dst(%dma_wait3A_87 : memref<128x64xf32, #tpu.memory_space<hbm>>)
        tpu.yield
      }) : () -> ()
    }
    %scan3A_37 = arith.constant 2 : i32
    return
  }
}

module attributes {stable_mosaic.version = 14 : i64} {
  func.func @_mlp_body(%arg0: memref<2x4096x64xf32, #tpu.memory_space<vmem>>, %arg1: memref<2x64x250xf32, #tpu.memory_space<vmem>>, %arg2: memref<1x250xf32, #tpu.memory_space<vmem>>, %arg3: memref<250x1xf32, #tpu.memory_space<vmem>>, %arg4: memref<1x1xf32, #tpu.memory_space<vmem>>, %arg5: memref<4096x1xf32, #tpu.memory_space<vmem>>) attributes {dimension_semantics = [], scalar_prefetch = 0 : i64, scratch_operands = 0 : i64, tpu.core_type = #tpu.core_type<tc>} {
    %get3A = arith.constant 0 : index
    %get3A_0 = arith.constant 0 : index
    %get3A_1 = arith.constant 0 : index
    %get3A_2 = vector.load %arg0[%get3A, %get3A_0, %get3A_1] : memref<2x4096x64xf32, #tpu.memory_space<vmem>>, vector<1x4096x64xf32>
    %get3A_3 = vector.shape_cast %get3A_2 : vector<1x4096x64xf32> to vector<4096x64xf32>
    %get3A_4 = arith.constant 0 : index
    %get3A_5 = arith.constant 0 : index
    %get3A_6 = arith.constant 0 : index
    %get3A_7 = vector.load %arg1[%get3A_4, %get3A_5, %get3A_6] : memref<2x64x250xf32, #tpu.memory_space<vmem>>, vector<1x64x250xf32>
    %get3A_8 = vector.shape_cast %get3A_7 : vector<1x64x250xf32> to vector<64x250xf32>
    %dot_general3A = arith.constant dense<0.000000e+00> : vector<4096x250xf32>
    %dot_general3A_9 = tpu.matmul %get3A_3, %get3A_8, %dot_general3A {dimension_numbers = #tpu.dot_dimension_numbers<[1], [0], [0], [1], [0, 0, 1, 1], [], []>, transpose_lhs_hint = false} : vector<4096x64xf32>, vector<64x250xf32>, vector<4096x250xf32> -> vector<4096x250xf32>
    %get3A_10 = arith.constant 1 : index
    %get3A_11 = arith.constant 0 : index
    %get3A_12 = arith.constant 0 : index
    %get3A_13 = vector.load %arg0[%get3A_10, %get3A_11, %get3A_12] : memref<2x4096x64xf32, #tpu.memory_space<vmem>>, vector<1x4096x64xf32>
    %get3A_14 = vector.shape_cast %get3A_13 : vector<1x4096x64xf32> to vector<4096x64xf32>
    %get3A_15 = arith.constant 1 : index
    %get3A_16 = arith.constant 0 : index
    %get3A_17 = arith.constant 0 : index
    %get3A_18 = vector.load %arg1[%get3A_15, %get3A_16, %get3A_17] : memref<2x64x250xf32, #tpu.memory_space<vmem>>, vector<1x64x250xf32>
    %get3A_19 = vector.shape_cast %get3A_18 : vector<1x64x250xf32> to vector<64x250xf32>
    %dot_general3A_20 = arith.constant dense<0.000000e+00> : vector<4096x250xf32>
    %dot_general3A_21 = tpu.matmul %get3A_14, %get3A_19, %dot_general3A_20 {dimension_numbers = #tpu.dot_dimension_numbers<[1], [0], [0], [1], [0, 0, 1, 1], [], []>, transpose_lhs_hint = false} : vector<4096x64xf32>, vector<64x250xf32>, vector<4096x250xf32> -> vector<4096x250xf32>
    %add3A = arith.addf %dot_general3A_9, %dot_general3A_21 : vector<4096x250xf32>
    %get3A_22 = arith.constant 0 : index
    %get3A_23 = arith.constant 0 : index
    %get3A_24 = vector.load %arg2[%get3A_22, %get3A_23] : memref<1x250xf32, #tpu.memory_space<vmem>>, vector<1x250xf32>
    %add3A_25 = vector.broadcast %get3A_24 : vector<1x250xf32> to vector<4096x250xf32>
    %add3A_26 = arith.addf %add3A, %add3A_25 : vector<4096x250xf32>
    %max3A = arith.constant 0.000000e+00 : f32
    %max3A_27 = vector.broadcast %max3A : f32 to vector<4096x250xf32>
    %max3A_28 = arith.maximumf %add3A_26, %max3A_27 : vector<4096x250xf32>
    %get3A_29 = arith.constant 0 : index
    %get3A_30 = arith.constant 0 : index
    %get3A_31 = vector.load %arg3[%get3A_29, %get3A_30] : memref<250x1xf32, #tpu.memory_space<vmem>>, vector<250x1xf32>
    %dot_general3A_32 = arith.constant dense<0.000000e+00> : vector<4096x1xf32>
    %dot_general3A_33 = tpu.matmul %max3A_28, %get3A_31, %dot_general3A_32 {dimension_numbers = #tpu.dot_dimension_numbers<[1], [0], [0], [1], [0, 0, 1, 1], [], []>, transpose_lhs_hint = false} : vector<4096x250xf32>, vector<250x1xf32>, vector<4096x1xf32> -> vector<4096x1xf32>
    %get3A_34 = arith.constant 0 : index
    %get3A_35 = arith.constant 0 : index
    %get3A_36 = vector.load %arg4[%get3A_34, %get3A_35] : memref<1x1xf32, #tpu.memory_space<vmem>>, vector<1x1xf32>
    %add3A_37 = vector.broadcast %get3A_36 : vector<1x1xf32> to vector<4096x1xf32>
    %add3A_38 = arith.addf %dot_general3A_33, %add3A_37 : vector<4096x1xf32>
    %logistic3A = arith.negf %add3A_38 : vector<4096x1xf32>
    %logistic3A_39 = math.exp %logistic3A : vector<4096x1xf32>
    %logistic3A_40 = arith.constant 1.000000e+00 : f32
    %logistic3A_41 = vector.broadcast %logistic3A_40 : f32 to vector<4096x1xf32>
    %logistic3A_42 = arith.addf %logistic3A_41, %logistic3A_39 : vector<4096x1xf32>
    %logistic3A_43 = arith.divf %logistic3A_41, %logistic3A_42 : vector<4096x1xf32>
    %swap3A = arith.constant 0 : index
    %swap3A_44 = arith.constant 0 : index
    %swap3A_45 = vector.load %arg5[%swap3A, %swap3A_44] : memref<4096x1xf32, #tpu.memory_space<vmem>>, vector<4096x1xf32>
    tpu.vector_store %arg5[%swap3A, %swap3A_44], %logistic3A_43 {strides = array<i32>} : memref<4096x1xf32, #tpu.memory_space<vmem>>, vector<4096x1xf32>,
    return
  }
}

</mosaic_0001>

<sc_bundles>
// kernel: kernel.5.cloned.1.call-start
scs
__scs_entry_jumppad:
0x0: {  	(pc) =	sbr.rel $0x88, $3  }
0x1: {  	(tag) =	ssettag $0x0;
	lr =	simm.s32 $0x1  }
0x2: {  	[smem:$0x3F9A] =	sst lr;
	_ =	strace $0xD0000000  }
0x3: {  	_ = 	snop  }
0x4: {  	_ = 	snop  }
0x5: {  	_ = 	snop  }
0x6: {  	_ = 	snop  }
0x7: {  	_ = 	snop  }
__scs_overlays_trampoline_lowered:
0x8: {  	[smem:$0x3FA9] =	sst s0  }
0x9: {  	[smem:$0x3FAA] =	sst s1  }
0xa: {  	[smem:$0x3FAB] =	sst s2  }
0xb: {  	[smem:$0x3FAC] =	sst s3  }
0xc: {  	[smem:$0x3FAD] =	sst s4  }
0xd: {  	[smem:$0x3FAE] =	sst s5  }
0xe: {  	[smem:$0x3FAF] =	sst s6  }
0xf: {  	[smem:$0x3FB0] =	sst s7  }
0x10: {  	[smem:$0x3FB1] =	sst s8  }
0x11: {  	[smem:$0x3FB2] =	sst s9;
	s0 =	simm.s32 @!p0 $0x0  }
0x12: {  	s1 =	sld [smem:$0x3F98];
	s0 =	simm.s32 @p0 $0x1  }
0x13: {  	[smem:$0x3FB3] =	sst s0;
	s0 =	simm.s32 @!p1 $0x0  }
0x14: {  	s2 =	sld [smem:$0x3F97];
	s0 =	simm.s32 @p1 $0x1  }
0x15: {  	[smem:$0x3FB4] =	sst s0;
	s0 =	simm.s32 @!p2 $0x0  }
0x16: {  	s3 =	sld [smem:$0x3FDB];
	s0 =	simm.s32 @p2 $0x1  }
0x17: {  	s4 =	simm.s32 $0x1BF5;
	[smem:$0x3FB6] =	sst s0  }
0x18: {  	s0 =	sld [smem:$0x3F99];
	_ =	swait.ge [sflag:s4], $0x0  }
0x19: {  	s7 =	sld [smem:$0x3F9A]  }
0x1a: {  	s8 =	sadd.s32 $0xFFFFE003, lr  }
0x1b: {  	s9 =	sadd.s32 $0xFFFFFEF7, lr;
	s5 =	simm.s32 $0xFFFFFFFF;
	p2 =	slt.u32 s8, $0xFFFFF086  }
0x1c: {  	p1 =	slt.u32 s9, $0xF7A;
	s5 =	simm.s32 @!p2 $0x0  }
0x1d: {  	s5 =	simm.s32 @p1 $0x1;
	p0 =	seq.s32 s7, s2  }
0x1e: {  	s7 =	smul.u32 @!p0 $0xF7A, s2;
	p2 =	seq.s32 @!p0 s5, $0x0  }
0x1f: {  	s9 =	smul.u32 $0xF7A, s1;
	s8 =	simm.s32 @!p0 $0x1BF5;
	p2 =	por !p2, p0  }
0x20: {  	[sflag:s8] =	ssyncset.s32 @!p0 $0xFFFFF086;
	s6 =	sadd.s32 @!p0 s3, s7;
	s7 =	simm.s32 @!p0 $0x108  }
0x21: {  	s3 =	sadd.s32 s3, s9;
	s6 =	sadd.s32 @!p0 $0x88, s6;
	s7 =	simm.s32 @p2 $0x1082  }
0x22: {  	[simem:s7], [sflag:s8] =	dma.local @!p0 [hbm:s6], $0xF7A  }
0x23: {  	s9 =	sor.u32 $0xD0000000, s2;
	s6 =	simm.s32 $0x108;
	_ =	swait.ge @!p0 [sflag:s8], $0x0  }
0x24: {  	s3 =	sadd.s32 $0x88, s3;
	s6 =	simm.s32 @!p1 $0x1082;
	[sflag:s4] =	ssyncset.s32 $0xFFFFF086  }
0x25: {  	[simem:s6], [sflag:s4] =	dma.local [hbm:s3], $0xF7A  }
0x26: {  	[smem:$0x3F9A] =	sst s1;
	(tag) =	ssettag s2;
	_ =	strace s9  }
0x27: {  	s1 =	sld [smem:$0x3FAA]  }
0x28: {  	s2 =	sld [smem:$0x3FAB]  }
0x29: {  	s4 =	sld [smem:$0x3FAD]  }
0x2a: {  	p0 =	seq.s32 s5, $0x0;
	s5 =	sld [smem:$0x3FAE]  }
0x2b: {  	s6 =	sld [smem:$0x3FAF]  }
0x2c: {  	s7 =	sld [smem:$0x3FB0]  }
0x2d: {  	s3 =	simm.s32 $0x108;
	s8 =	sld [smem:$0x3FB1]  }
0x2e: {  	s3 =	simm.s32 @!p0 $0x1082;
	s9 =	sld [smem:$0x3FB2]  }
0x2f: {  	lr =	sadd.s32 s0, s3;
	s0 =	sld [smem:$0x3FA9]  }
0x30: {  	s3 =	sld [smem:$0x3FAC]  }
0x31: {  	[smem:$0x3FB5] =	sst s10  }
0x32: {  	s10 =	sld [smem:$0x3FB3];
	_ =	sdelay $0x3  }
0x33: {  	p0 =	seq.s32 s10, $0x1;
	s10 =	sld [smem:$0x3FB5];
	_ =	sdelay $0x3  }
0x34: {  	[smem:$0x3FB5] =	sst s10  }
0x35: {  	s10 =	sld [smem:$0x3FB4];
	_ =	sdelay $0x3  }
0x36: {  	p1 =	seq.s32 s10, $0x1;
	s10 =	sld [smem:$0x3FB5];
	_ =	sdelay $0x3  }
0x37: {  	[smem:$0x3FB5] =	sst s10  }
0x38: {  	s10 =	sld [smem:$0x3FB6]  }
0x39: {  	_ = 	snop;
	(pc) =	sbr.ind lr, $3  }
0x3a: {  	_ = 	snop  }
0x3b: {  	_ = 	snop  }
0x3c: {  	p2 =	seq.s32 s10, $0x1;
	s10 =	sld [smem:$0x3FB5]  }
0x3d: {  	_ =	shalt  }
0x3e: {  	_ =	shalt  }
0x3f: {  	_ =	shalt  }
0x40: {  	_ =	shalt  }
0x41: {  	_ =	shalt  }
0x42: {  	_ =	shalt  }
0x43: {  	_ =	shalt  }
0x44: {  	_ =	shalt  }
0x45: {  	_ =	shalt  }
0x46: {  	_ =	shalt  }
0x47: {  	_ =	shalt  }
0x48: {  	_ =	shalt  }
0x49: {  	_ =	shalt  }
0x4a: {  	_ =	shalt  }
0x4b: {  	_ =	shalt  }
0x4c: {  	_ =	shalt  }
0x4d: {  	_ =	shalt  }
0x4e: {  	_ =	shalt  }
0x4f: {  	_ =	shalt  }
0x50: {  	_ =	shalt  }
0x51: {  	_ =	shalt  }
0x52: {  	_ =	shalt  }
0x53: {  	_ =	shalt  }
0x54: {  	_ =	shalt  }
0x55: {  	_ =	shalt  }
0x56: {  	_ =	shalt  }
0x57: {  	_ =	shalt  }
0x58: {  	_ =	shalt  }
0x59: {  	_ =	shalt  }
0x5a: {  	_ =	shalt  }
0x5b: {  	_ =	shalt  }
0x5c: {  	_ =	shalt  }
0x5d: {  	_ =	shalt  }
0x5e: {  	_ =	shalt  }
0x5f: {  	_ =	shalt  }
0x60: {  	_ =	shalt  }
0x61: {  	_ =	shalt  }
0x62: {  	_ =	shalt  }
0x63: {  	_ =	shalt  }
0x64: {  	_ =	shalt  }
0x65: {  	_ =	shalt  }
0x66: {  	_ =	shalt  }
0x67: {  	_ =	shalt  }
0x68: {  	_ =	shalt  }
0x69: {  	_ =	shalt  }
0x6a: {  	_ =	shalt  }
0x6b: {  	_ =	shalt  }
0x6c: {  	_ =	shalt  }
0x6d: {  	_ =	shalt  }
0x6e: {  	_ =	shalt  }
0x6f: {  	_ =	shalt  }
0x70: {  	_ =	shalt  }
0x71: {  	_ =	shalt  }
0x72: {  	_ =	shalt  }
0x73: {  	_ =	shalt  }
0x74: {  	_ =	shalt  }
0x75: {  	_ =	shalt  }
0x76: {  	_ =	shalt  }
0x77: {  	_ =	shalt  }
0x78: {  	_ =	shalt  }
0x79: {  	_ =	shalt  }
0x7a: {  	_ =	shalt  }
0x7b: {  	_ =	shalt  }
0x7c: {  	_ =	shalt  }
0x7d: {  	_ =	shalt  }
0x7e: {  	_ =	shalt  }
0x7f: {  	_ =	shalt  }
0x80: {  	_ =	shalt  }
0x81: {  	_ =	shalt  }
0x82: {  	_ =	shalt  }
0x83: {  	_ =	shalt  }
0x84: {  	_ =	shalt  }
0x85: {  	_ =	shalt  }
0x86: {  	_ =	shalt  }
0x87: {  	_ =	shalt  }
.Lfunc_end0:
.L_simem_size_0:
called_computation_lowered:
.L_overlay_start_0:
0x88: {  	s2 =	sld [smem:$0x3FD9]  }
0x89: {  	s3 =	sld [smem:$0x3FFE];
	_ =	sdelay $0x1  }
0x8a: {  	s1 =	srdreg.scid  }
0x8b: {  	s0 =	sand.u32 $0x1, s1  }
0x8c: {  	s16 =	sshll.u32 s0, $0xA;
	s2 =	sadd.s32 s3, s2  }
0x8d: {  	s2 =	sadd.s32 s2, s16  }
0x8e: {  	[smem:$0x3FC1] =	sst s2  }
0x8f: {  	_ = 	snop  }
0x90: {  	(tm) =	ssettm $0x1  }
0x91: {  	s17 =	sld [smem:$0x3FFB];
	_ =	sdelay $0x3  }
0x92: {  	_ =	strace s17  }
0x93: {  	s2 =	sld [smem:$0x3FFC];
	_ =	sdelay $0x3  }
0x94: {  	_ =	strace s2  }
0x95: {  	s2 =	sld [smem:$0x3FFD];
	_ =	sdelay $0x3  }
0x96: {  	_ =	strace s2  }
0x97: {  	_ =	strace $0x8FFFFFFF  }
0x98: {  	s18 =	sld [smem:$0x3FDB];
	_ =	sdelay $0x1  }
0x99: {  	s19 =	simm.s32 $_scs_section_size  }
0x9a: {  	s4 =	simm.s32 $_size__tile_overlayer_lowered;
	s5 =	simm.s32 $_tile_overlayer_lowered  }
0x9b: {  	s22 =	simm.s32 $0x1BFF;
	s21 =	sshll.u32 s5, $0x1;
	s2 =	sadd.s32 s19, s18  }
0x9c: {  	s6 =	simm.s32 $0x0;
	s20 =	sshll.u32 s4, $0x1;
	s4 =	sadd.s32 s21, s2  }
0x9d: {  	[timem:s6], [sflag:s22] =	dma.local [hbm:s4], s20  }
0x9e: {  	_ =	swait.ge [sflag:s22], s20  }
0x9f: {  	s3 =	ssub.s32 $0x0, s20;
	[sflag:s22] =	ssyncset.done $0x0  }
0xa0: {  	[sflag:s22] =	ssyncadd.s32 s3;
	_ =	sdelay $0x1  }
0xa1: {  	s23 =	simm.s32 $0x1B8B  }
0xa2: {  	_ =	swait.ge [sflag:s23], $0x1  }
0xa3: {  	[sflag:s23] =	ssyncset.done $0x0  }
0xa4: {  	s25 =	simm.s32 $0x1B8E;
	s24 =	sld [smem:$0x3FFE];
	[sflag:s23] =	ssyncadd.s32 $0xFFFFFFFF  }
0xa5: {  	s26 =	simm.s32 $execute0_lowered;
	[smem:$0x3FD2] =	sst s25  }
0xa6: {  	s4 =	sshll.u32 s26, $0x1;
	_ =	strace $0x80000046;
	[dreg:$0x1] =	wrdreg $0xFFFFFFFF  }
0xa7: {  	s28 =	simm.s32 $_size_execute0_lowered;
	s2 =	sadd.s32 s2, s4;
	[dreg:$0x0] =	wrdreg $0x0  }
0xa8: {  	s4 =	sshll.u32 s28, $0x1;
	[dreg:$0x2] =	wrdreg s2  }
0xa9: {  	[dreg:$0x3] =	wrdreg s4  }
0xaa: {  	[dreg:$0x4] =	wrdreg $0xC0  }
0xab: {  	_ =	task [dreg:s6], $0x5FFFF  }
0xac: {  	[dreg:$0x1] =	wrdreg $0xFFFFFFFF  }
0xad: {  	[dreg:$0x0] =	wrdreg $0x60  }
0xae: {  	[dreg:$0x2] =	wrdreg s24  }
0xaf: {  	[dreg:$0x3] =	wrdreg $0x9  }
0xb0: {  	_ =	task.clear_ibuf [dreg:s6], $0x4FFFF;
	_ =	strace $0x90000046  }
0xb1: {  	s29 =	simm.s32 $0x9;
	_ =	strace $0x80000048  }
0xb2: {  	_ =	swait.ge [sflag:s29], $0x1  }
0xb3: {  	[sflag:s29] =	ssyncadd.s32 $0xFFFFFFFF  }
0xb4: {  	_ =	strace $0x90000048  }
0xb5: {  	_ =	sfence  }
0xb6: {  	s30 =	sld [smem:$0x0];
	_ =	sdelay $0x2  }
0xb7: {  	s31 =	sshll.u32 s1, $0xD;
	s1 =	sshrl.u32 s1, $0x2  }
0xb8: {  	s3 =	sand.u32 $0x4000, s31;
	s1 =	sadd.s32 s1, s30  }
0xb9: {  	s0 =	sor.u32 s3, s0;
	s1 =	sshll.u32 s1, $0x11  }
0xba: {  	s0 =	sor.u32 s1, s0  }
0xbb: {  	s0 =	sadd.s32 $0x8F2B, s0  }
0xbc: {  	[sflag:s0] =	ssyncadd.remote.s32 $0x1  }
0xbd: {  	_ =	sfence.sel $0xFFFF  }
0xbe: {  	[dreg:$0x0] =	wrdreg $0xFFFFFFFF;
	(pc) =	sbr.abs _section_cstart, $3  }
0xbf: {  	[dreg:$0x1] =	wrdreg $0xFFFFFFFF  }
0xc0: {  	_ =	task.clear_ibuf [dreg:s6], $0x2FFFF;
	_ =	strace $0x9FFFFFFF  }
0xc1: {  	(tm) =	ssettm $0x7FFFFFFF  }
tec
execute0_lowered:
.L_overlay_start_1:
0x0: {  	(tag) =	ssettag $0x1  }
0x1: {  	s1 =	srdreg.scid  }
0x2: {  	s0 =	stileid.u32;
	s5 =	rddreg [dreg:$0x0]  }
0x3: {  	s2 =	simm.s32 $0x0;
	s14 =	simm.s32 $0x1;
	s15 =	simm.s32 $0x5000  }
0x4: {  	s16 =	simm.s32 $0xA000;
	s17 =	simm.s32 $0x2;
	s18 =	simm.s32 $0xF000  }
0x5: {  	s19 =	simm.s32 $0x3;
	s20 =	simm.s32 $0x4;
	s21 =	simm.s32 $0x5  }
0x6: {  	s4 =	sand.u32 $0x1, s1;
	s3 =	sshll.u32 s0, $0x1;
	s1 =	rddreg [dreg:$0x1]  }
0x7: {  	s22 =	simm.s32 $0x0;
	[smem:$0x7FF] =	sst s2;
	s3 =	sor.u32 s4, s3  }
0x8: {  	p0 =	sgt.u32 s0, $0x4;
	s6 =	ssub.s32 $0x2, s4;
	s7 =	smul.u32 $0xA00, s3  }
0x9: {  	_ =	strace $0x80000047;
	s4 =	sadd.s32 $0x1400, s5;
	s9 =	smul.u32 $0x5000, s3  }
.Ltmp0:
0xa: {  	s5 =	sadd.s32 $0xF43800, s5;
	s8 =	sshrl.u32 s6, $0x1;
	(pc) =	sbr.rel .LBB2_1-.Ltmp0, $4  }
0xb: {  	s13 =	ssub.s32 s6, s8;
	s8 =	sor.u32 $0x40, s3;
	s9 =	sshrl.u32 s9, $0x3  }
0xc: {  	s6 =	sadd.s32 s4, s7;
	s7 =	sor.u32 $0x20, s3;
	s10 =	sadd.s32 $0xF28000, s9  }
0xd: {  	s13 =	smax.u32 s13, $0x1;
	s12 =	sadd.s32 $0xF3C000, s9;
	s9 =	sadd.s32 s4, s10  }
0xe: {  	v0 =	vimm.f32 $0.0e+00;
	s10 =	sadd.s32 s5, s10;
	s11 =	sadd.s32 s4, s12;
	s12 =	sadd.s32 s5, s12  }
.LBB2_17:
0xf: {  	s22 =	sadd.s32 $0x1, s22  }
0x10: {  	p1 =	sne.s32 s22, s13  }
.Ltmp1:
0x11: {  	_ = 	snop;
	(pc) =	sbr.rel @!p1 .LBB2_18-.Ltmp1, $1  }
0x12: {  	_ =	sdelay $0x3  }
.LBB2_1:
0x13: {  	s24 =	simm.s32 $0x200;
	s23 =	simm.s32 $0x0  }
.LBB2_2:
0x14: {  	p1 =	sne.s32 s24, $0x13E00;
	[tilespmem:s23+$0xA070] =	vst v0;
	s25 =	smov.u32 s24;
	s24 =	sadd.s32 $0x200, s24  }
.Ltmp2:
0x15: {  	[tilespmem:s23+$0xA060] =	vst v0;
	(pc) =	sbr.rel @p1 .LBB2_2-.Ltmp2, $4  }
0x16: {  	[tilespmem:s23+$0xA050] =	vst v0  }
0x17: {  	[tilespmem:s23+$0xA030] =	vst v0  }
0x18: {  	[tilespmem:s23+$0xA040] =	vst v0  }
0x19: {  	s23 =	sshra.s32 s25, $0x2  }
0x1a: {  	[tilespmem:s23+$0xA070] =	vst v0  }
0x1b: {  	[tilespmem:s23+$0xA060] =	vst v0  }
0x1c: {  	[tilespmem:s23+$0xA050] =	vst v0  }
0x1d: {  	[tilespmem:s23+$0xA030] =	vst v0  }
0x1e: {  	[tilespmem:s23+$0xA040] =	vst v0;
	s24 =	simm.s32 $0x200;
	s23 =	simm.s32 $0x0  }
.LBB2_4:
0x1f: {  	p1 =	sne.s32 s24, $0x13E00;
	[tilespmem:s23+$0xF070] =	vst v0;
	s25 =	smov.u32 s24;
	s24 =	sadd.s32 $0x200, s24  }
.Ltmp3:
0x20: {  	[tilespmem:s23+$0xF060] =	vst v0;
	(pc) =	sbr.rel @p1 .LBB2_4-.Ltmp3, $4  }
0x21: {  	[tilespmem:s23+$0xF050] =	vst v0  }
0x22: {  	[tilespmem:s23+$0xF030] =	vst v0  }
0x23: {  	[tilespmem:s23+$0xF040] =	vst v0  }
0x24: {  	s23 =	sshra.s32 s25, $0x2  }
0x25: {  	[tilespmem:s23+$0xF070] =	vst v0  }
0x26: {  	[tilespmem:s23+$0xF060] =	vst v0  }
0x27: {  	[tilespmem:s23+$0xF050] =	vst v0  }
0x28: {  	[tilespmem:s23+$0xF030] =	vst v0  }
0x29: {  	[tilespmem:s23+$0xF040] =	vst v0;
	s23 =	simm.s32 $0x0  }
0x2a: {  	[tilespmem:s23], [sflag:$0x1] =	stream.linear.gather [hbm4b:s6+s23], $0x5000, $0x38;
	[tilespmem:$0x14000] =	vst v63  }
.LBB2_6:
0x2b: {  	s25 =	sshll.u32 s23, $0x6  }
0x2c: {  	s24 =	sor.u32 s7, s25  }
0x2d: {  	_ =	swait.ge [sflag:s14], $0x5000;
	s24 =	smul.u32 $0xA00, s24  }
0x2e: {  	[sflag:s14] =	ssyncset.done $0x0  }
0x2f: {  	p1 =	seq.s32 s23, $0x0;
	[sflag:s14] =	ssyncadd.s32 $0xFFFFB000;
	s26 =	sadd.s32 s4, s24  }
0x30: {  	[tilespmem:s15], [sflag:$0x2] =	stream.linear.gather [hbm4b:s26+s2], $0x5000, $0x38;
	[tilespmem:$0x14000] =	vst v63  }
0x31: {  	s26 =	simm.s32 @!p1 $0x3  }
0x32: {  	_ =	swait.ge @!p1 [sflag:s26], $0x5000  }
0x33: {  	[sflag:s26] =	ssyncset.done @!p1 $0x0  }
0x34: {  	[sflag:s26] =	ssyncadd.s32 @!p1 $0xFFFFB000;
	s26 =	simm.s32 $0x0  }
0x35: {  	v2 =	vld [tilespmem:s26+$0x20]  }
0x36: {  	v3 =	vld [tilespmem:s26+$0x22]  }
0x37: {  	v1 =	vld [tilespmem:s26+$0x0]  }
0x38: {  	s29 =	simm.s32 $0x200;
	s28 =	sor.u32 s3, s25;
	v4 =	vld [tilespmem:s26+$0x10]  }
.LBB2_7:
0x39: {  	p1 =	sne.s32 s29, $0x13E00  }
.Ltmp4:
0x3a: {  	s30 =	sshra.s32 s29, $0x2;
	[tilespmem:s26+$0xA020] =	vst v2;
	(pc) =	sbr.rel @p1 .LBB2_7-.Ltmp4, $4  }
0x3b: {  	s29 =	sadd.s32 $0x200, s29;
	v2 =	vld [tilespmem:s30+$0x20];
	[tilespmem:s26+$0xA022] =	vst v3  }
0x3c: {  	v3 =	vld [tilespmem:s30+$0x22];
	[tilespmem:s26+$0xA000] =	vst v1  }
0x3d: {  	v1 =	vld [tilespmem:s30+$0x0];
	[tilespmem:s26+$0xA010] =	vst v4;
	s26 =	smov.u32 s30  }
0x3e: {  	v4 =	vld [tilespmem:s26+$0x10]  }
0x3f: {  	_ = 	snop  }
0x40: {  	[tilespmem:s26+$0xA020] =	vst v2  }
0x41: {  	s28 =	smul.u32 $0xA00, s28;
	[tilespmem:s26+$0xA022] =	vst v3  }
0x42: {  	p1 =	seq.s32 s23, $0x60;
	[tilespmem:s26+$0xA000] =	vst v1  }
0x43: {  	s25 =	sadd.s32 @!p1 s8, s25;
	s31 =	sadd.s32 s5, s28;
	[tilespmem:s26+$0xA010] =	vst v4  }
0x44: {  	[hbm4b:s31+s2] =	stream.linear.scatter [tilespmem:s16], [sflag:$0x3], $0x5000, $0x38;
	[tilespmem:$0x14000] =	vst v63  }
0x45: {  	s25 =	smul.u32 @!p1 $0xA00, s25;
	_ =	swait.ge [sflag:s17], $0x5000  }
0x46: {  	p2 =	seq.s32 @!p1 s23, $0x0;
	[sflag:s17] =	ssyncset.done $0x0  }
0x47: {  	s25 =	sadd.s32 @!p1 s4, s25;
	s26 =	simm.s32 @!p1 $0x0;
	[sflag:s17] =	ssyncadd.s32 $0xFFFFB000  }
0x48: {  	[tilespmem:s26], [sflag:$0x1] =	stream.linear.gather @!p1 [hbm4b:s25+s26], $0x5000, $0x38;
	[tilespmem:$0x14000] =	vst v63  }
0x49: {  	p1 =	por p1, !p2  }
0x4a: {  	_ =	swait.ge @p1 [sflag:s20], $0x5000  }
0x4b: {  	[sflag:s20] =	ssyncset.done @p1 $0x0  }
0x4c: {  	s25 =	simm.s32 $0x0;
	[sflag:s20] =	ssyncadd.s32 @p1 $0xFFFFB000  }
0x4d: {  	v1 =	vld [tilespmem:s25+$0x5020]  }
0x4e: {  	v2 =	vld [tilespmem:s25+$0x5022]  }
0x4f: {  	v3 =	vld [tilespmem:s25+$0x5000]  }
0x50: {  	s26 =	simm.s32 $0x200;
	v4 =	vld [tilespmem:s25+$0x5010]  }
.LBB2_9:
0x51: {  	p1 =	sne.s32 s26, $0x13E00  }
.Ltmp5:
0x52: {  	s28 =	sshra.s32 s26, $0x2;
	[tilespmem:s25+$0xF020] =	vst v1;
	(pc) =	sbr.rel @p1 .LBB2_9-.Ltmp5, $4  }
0x53: {  	s26 =	sadd.s32 $0x200, s26;
	v1 =	vld [tilespmem:s28+$0x5020];
	[tilespmem:s25+$0xF022] =	vst v2  }
0x54: {  	v2 =	vld [tilespmem:s28+$0x5022];
	[tilespmem:s25+$0xF000] =	vst v3  }
0x55: {  	v3 =	vld [tilespmem:s28+$0x5000];
	[tilespmem:s25+$0xF010] =	vst v4;
	s25 =	smov.u32 s28  }
0x56: {  	v4 =	vld [tilespmem:s25+$0x5010]  }
0x57: {  	s23 =	sadd.s32 $0x1, s23  }
0x58: {  	p1 =	sne.s32 s23, $0x61  }
.Ltmp6:
0x59: {  	[tilespmem:s25+$0xF020] =	vst v1;
	(pc) =	sbr.rel @p1 .LBB2_6-.Ltmp6, $4  }
0x5a: {  	[tilespmem:s25+$0xF022] =	vst v2  }
0x5b: {  	[tilespmem:s25+$0xF000] =	vst v3  }
0x5c: {  	s24 =	sadd.s32 s5, s24;
	[tilespmem:s25+$0xF010] =	vst v4  }
0x5d: {  	[hbm4b:s24+s2] =	stream.linear.scatter [tilespmem:s18], [sflag:$0x4], $0x5000, $0x38;
	[tilespmem:$0x14000] =	vst v63  }
0x5e: {  	_ =	swait.ge [sflag:s19], $0x5000  }
0x5f: {  	[sflag:s19] =	ssyncset.done $0x0  }
0x60: {  	[sflag:s19] =	ssyncadd.s32 $0xFFFFB000  }
0x61: {  	_ =	swait.ge [sflag:s20], $0x5000  }
0x62: {  	[sflag:s20] =	ssyncset.done $0x0  }
0x63: {  	s23 =	simm.s32 $0x0;
	[sflag:s20] =	ssyncadd.s32 $0xFFFFB000  }
0x64: {  	[tilespmem:s23], [sflag:$0x5] =	stream.linear.gather [hbm4b:s9+s23], $0x5000, $0x38;
	[tilespmem:$0x14000] =	vst v63  }
0x65: {  	_ =	swait.ge [sflag:s21], $0x5000  }
0x66: {  	[sflag:s21] =	ssyncset.done $0x0  }
0x67: {  	s23 =	simm.s32 $0x0;
	[sflag:s21] =	ssyncadd.s32 $0xFFFFB000  }
0x68: {  	v1 =	vld [tilespmem:s23+$0x20]  }
0x69: {  	v2 =	vld [tilespmem:s23+$0x22]  }
0x6a: {  	v3 =	vld [tilespmem:s23+$0x0]  }
0x6b: {  	s24 =	simm.s32 $0x200;
	v4 =	vld [tilespmem:s23+$0x10]  }
.LBB2_12:
0x6c: {  	p1 =	sne.s32 s24, $0x13E00  }
.Ltmp7:
0x6d: {  	s25 =	sshra.s32 s24, $0x2;
	[tilespmem:s23+$0xA020] =	vst v1;
	(pc) =	sbr.rel @p1 .LBB2_12-.Ltmp7, $4  }
0x6e: {  	s24 =	sadd.s32 $0x200, s24;
	v1 =	vld [tilespmem:s25+$0x20];
	[tilespmem:s23+$0xA022] =	vst v2  }
0x6f: {  	v2 =	vld [tilespmem:s25+$0x22];
	[tilespmem:s23+$0xA000] =	vst v3  }
0x70: {  	v3 =	vld [tilespmem:s25+$0x0];
	[tilespmem:s23+$0xA010] =	vst v4;
	s23 =	smov.u32 s25  }
0x71: {  	v4 =	vld [tilespmem:s23+$0x10]  }
0x72: {  	_ = 	snop  }
0x73: {  	[tilespmem:s23+$0xA020] =	vst v1  }
0x74: {  	[tilespmem:s23+$0xA022] =	vst v2  }
0x75: {  	[tilespmem:s23+$0xA000] =	vst v3  }
.Ltmp8:
0x76: {  	[tilespmem:s23+$0xA010] =	vst v4;
	(pc) =	sbr.rel @p0 .LBB2_17-.Ltmp8, $4  }
0x77: {  	[hbm4b:s10+s2] =	stream.linear.scatter [tilespmem:s16], [sflag:$0x5], $0x5000, $0x38;
	[tilespmem:$0x14000] =	vst v63  }
0x78: {  	_ =	swait.ge [sflag:s21], $0x5000  }
0x79: {  	[sflag:s21] =	ssyncset.done $0x0  }
0x7a: {  	[sflag:s21] =	ssyncadd.s32 $0xFFFFB000  }
0x7b: {  	s23 =	simm.s32 $0x0  }
0x7c: {  	[tilespmem:s23], [sflag:$0x5] =	stream.linear.gather [hbm4b:s11+s23], $0x5000, $0x38;
	[tilespmem:$0x14000] =	vst v63  }
0x7d: {  	_ =	swait.ge [sflag:s21], $0x5000  }
0x7e: {  	[sflag:s21] =	ssyncset.done $0x0  }
0x7f: {  	s23 =	simm.s32 $0x0;
	[sflag:s21] =	ssyncadd.s32 $0xFFFFB000  }
0x80: {  	v1 =	vld [tilespmem:s23+$0x20]  }
0x81: {  	v2 =	vld [tilespmem:s23+$0x22]  }
0x82: {  	v3 =	vld [tilespmem:s23+$0x0]  }
0x83: {  	s24 =	simm.s32 $0x200;
	v4 =	vld [tilespmem:s23+$0x10]  }
.LBB2_15:
0x84: {  	p1 =	sne.s32 s24, $0x13E00  }
.Ltmp9:
0x85: {  	s25 =	sshra.s32 s24, $0x2;
	[tilespmem:s23+$0xA020] =	vst v1;
	(pc) =	sbr.rel @p1 .LBB2_15-.Ltmp9, $4  }
0x86: {  	s24 =	sadd.s32 $0x200, s24;
	v1 =	vld [tilespmem:s25+$0x20];
	[tilespmem:s23+$0xA022] =	vst v2  }
0x87: {  	v2 =	vld [tilespmem:s25+$0x22];
	[tilespmem:s23+$0xA000] =	vst v3  }
0x88: {  	v3 =	vld [tilespmem:s25+$0x0];
	[tilespmem:s23+$0xA010] =	vst v4;
	s23 =	smov.u32 s25  }
0x89: {  	v4 =	vld [tilespmem:s23+$0x10]  }
0x8a: {  	_ = 	snop  }
0x8b: {  	[tilespmem:s23+$0xA020] =	vst v1  }
0x8c: {  	[tilespmem:s23+$0xA022] =	vst v2  }
0x8d: {  	[tilespmem:s23+$0xA000] =	vst v3  }
.Ltmp10:
0x8e: {  	[tilespmem:s23+$0xA010] =	vst v4;
	(pc) =	sbr.rel .LBB2_17-.Ltmp10, $4  }
0x8f: {  	[hbm4b:s12+s2] =	stream.linear.scatter [tilespmem:s16], [sflag:$0x5], $0x5000, $0x38;
	[tilespmem:$0x14000] =	vst v63  }
0x90: {  	_ =	swait.ge [sflag:s21], $0x5000  }
0x91: {  	[sflag:s21] =	ssyncset.done $0x0  }
0x92: {  	[sflag:s21] =	ssyncadd.s32 $0xFFFFB000  }
.LBB2_18:
0x93: {  	_ =	sfence.sel $0x180000  }
0x94: {  	[bflag:$0x0] =	sbarrier.arrive $0xFFFF  }
0x95: {  	p0 =	sne.s32 s0, $0x0;
	_ =	strace $0x90000047  }
0x96: {  	s0 =	sadd.s32 @!p0 $0x100000, s1;
	[bflag:$0x2] =	sbarrier.arrive $0xFFFF  }
0x97: {  	[sflag:s0] =	ssyncadd.tile.s32 @!p0 $0x1;
	_ =	shalt  }
.Lfunc_end2:
_tile_overlayer_lowered:
.L_overlay_start_2:
0x98: {  	(tag) =	ssettag $0x2  }
0x99: {  	s0 =	rddreg [dreg:$0x0];
	s2 =	stileid.u32  }
0x9a: {  	s1 =	rddreg [dreg:$0x1];
	p0 =	sne.s32 s2, $0x0  }
0x9b: {  	s3 =	rddreg [dreg:$0x2];
	[bflag:$0x3] =	sbarrier.arrive $0xFFFF;
	s2 =	simm.s32 @!p0 $0x1C05  }
0x9c: {  	[timem:s3], [sflag:s2] =	dma.local @!p0 [hbm:s0], s1  }
0x9d: {  	s0 =	simm.s32 @!p0 $0x5  }
0x9e: {  	_ =	swait.ge @!p0 [sflag:s0], s1  }
0x9f: {  	s1 =	ssub.s32 @!p0 $0x0, s1;
	[sflag:s0] =	ssyncset.done @!p0 $0x0  }
0xa0: {  	[sflag:s0] =	ssyncadd.s32 @!p0 s1  }
0xa1: {  	[bflag:$0x3] =	sbarrier.arrive $0xFFFF  }
0xa2: {  	_ =	shalt  }

// kernel: kernel.8.cloned.1.call-start
scs
__scs_entry_jumppad:
0x0: {  	(pc) =	sbr.rel $0x88, $3  }
0x1: {  	(tag) =	ssettag $0x0;
	lr =	simm.s32 $0x1  }
0x2: {  	[smem:$0x3F9A] =	sst lr;
	_ =	strace $0xD0000000  }
0x3: {  	_ = 	snop  }
0x4: {  	_ = 	snop  }
0x5: {  	_ = 	snop  }
0x6: {  	_ = 	snop  }
0x7: {  	_ = 	snop  }
__scs_overlays_trampoline_lowered:
0x8: {  	[smem:$0x3FA9] =	sst s0  }
0x9: {  	[smem:$0x3FAA] =	sst s1  }
0xa: {  	[smem:$0x3FAB] =	sst s2  }
0xb: {  	[smem:$0x3FAC] =	sst s3  }
0xc: {  	[smem:$0x3FAD] =	sst s4  }
0xd: {  	[smem:$0x3FAE] =	sst s5  }
0xe: {  	[smem:$0x3FAF] =	sst s6  }
0xf: {  	[smem:$0x3FB0] =	sst s7  }
0x10: {  	[smem:$0x3FB1] =	sst s8  }
0x11: {  	[smem:$0x3FB2] =	sst s9;
	s0 =	simm.s32 @!p0 $0x0  }
0x12: {  	s1 =	sld [smem:$0x3F98];
	s0 =	simm.s32 @p0 $0x1  }
0x13: {  	[smem:$0x3FB3] =	sst s0;
	s0 =	simm.s32 @!p1 $0x0  }
0x14: {  	s2 =	sld [smem:$0x3F97];
	s0 =	simm.s32 @p1 $0x1  }
0x15: {  	[smem:$0x3FB4] =	sst s0;
	s0 =	simm.s32 @!p2 $0x0  }
0x16: {  	s3 =	sld [smem:$0x3FDB];
	s0 =	simm.s32 @p2 $0x1  }
0x17: {  	s4 =	simm.s32 $0x1BF5;
	[smem:$0x3FB6] =	sst s0  }
0x18: {  	s0 =	sld [smem:$0x3F99];
	_ =	swait.ge [sflag:s4], $0x0  }
0x19: {  	s7 =	sld [smem:$0x3F9A]  }
0x1a: {  	s8 =	sadd.s32 $0xFFFFE003, lr  }
0x1b: {  	s9 =	sadd.s32 $0xFFFFFEF7, lr;
	s5 =	simm.s32 $0xFFFFFFFF;
	p2 =	slt.u32 s8, $0xFFFFF086  }
0x1c: {  	p1 =	slt.u32 s9, $0xF7A;
	s5 =	simm.s32 @!p2 $0x0  }
0x1d: {  	s5 =	simm.s32 @p1 $0x1;
	p0 =	seq.s32 s7, s2  }
0x1e: {  	s7 =	smul.u32 @!p0 $0xF7A, s2;
	p2 =	seq.s32 @!p0 s5, $0x0  }
0x1f: {  	s9 =	smul.u32 $0xF7A, s1;
	s8 =	simm.s32 @!p0 $0x1BF5;
	p2 =	por !p2, p0  }
0x20: {  	[sflag:s8] =	ssyncset.s32 @!p0 $0xFFFFF086;
	s6 =	sadd.s32 @!p0 s3, s7;
	s7 =	simm.s32 @!p0 $0x108  }
0x21: {  	s3 =	sadd.s32 s3, s9;
	s6 =	sadd.s32 @!p0 $0x88, s6;
	s7 =	simm.s32 @p2 $0x1082  }
0x22: {  	[simem:s7], [sflag:s8] =	dma.local @!p0 [hbm:s6], $0xF7A  }
0x23: {  	s9 =	sor.u32 $0xD0000000, s2;
	s6 =	simm.s32 $0x108;
	_ =	swait.ge @!p0 [sflag:s8], $0x0  }
0x24: {  	s3 =	sadd.s32 $0x88, s3;
	s6 =	simm.s32 @!p1 $0x1082;
	[sflag:s4] =	ssyncset.s32 $0xFFFFF086  }
0x25: {  	[simem:s6], [sflag:s4] =	dma.local [hbm:s3], $0xF7A  }
0x26: {  	[smem:$0x3F9A] =	sst s1;
	(tag) =	ssettag s2;
	_ =	strace s9  }
0x27: {  	s1 =	sld [smem:$0x3FAA]  }
0x28: {  	s2 =	sld [smem:$0x3FAB]  }
0x29: {  	s4 =	sld [smem:$0x3FAD]  }
0x2a: {  	p0 =	seq.s32 s5, $0x0;
	s5 =	sld [smem:$0x3FAE]  }
0x2b: {  	s6 =	sld [smem:$0x3FAF]  }
0x2c: {  	s7 =	sld [smem:$0x3FB0]  }
0x2d: {  	s3 =	simm.s32 $0x108;
	s8 =	sld [smem:$0x3FB1]  }
0x2e: {  	s3 =	simm.s32 @!p0 $0x1082;
	s9 =	sld [smem:$0x3FB2]  }
0x2f: {  	lr =	sadd.s32 s0, s3;
	s0 =	sld [smem:$0x3FA9]  }
0x30: {  	s3 =	sld [smem:$0x3FAC]  }
0x31: {  	[smem:$0x3FB5] =	sst s10  }
0x32: {  	s10 =	sld [smem:$0x3FB3];
	_ =	sdelay $0x3  }
0x33: {  	p0 =	seq.s32 s10, $0x1;
	s10 =	sld [smem:$0x3FB5];
	_ =	sdelay $0x3  }
0x34: {  	[smem:$0x3FB5] =	sst s10  }
0x35: {  	s10 =	sld [smem:$0x3FB4];
	_ =	sdelay $0x3  }
0x36: {  	p1 =	seq.s32 s10, $0x1;
	s10 =	sld [smem:$0x3FB5];
	_ =	sdelay $0x3  }
0x37: {  	[smem:$0x3FB5] =	sst s10  }
0x38: {  	s10 =	sld [smem:$0x3FB6]  }
0x39: {  	_ = 	snop;
	(pc) =	sbr.ind lr, $3  }
0x3a: {  	_ = 	snop  }
0x3b: {  	_ = 	snop  }
0x3c: {  	p2 =	seq.s32 s10, $0x1;
	s10 =	sld [smem:$0x3FB5]  }
0x3d: {  	_ =	shalt  }
0x3e: {  	_ =	shalt  }
0x3f: {  	_ =	shalt  }
0x40: {  	_ =	shalt  }
0x41: {  	_ =	shalt  }
0x42: {  	_ =	shalt  }
0x43: {  	_ =	shalt  }
0x44: {  	_ =	shalt  }
0x45: {  	_ =	shalt  }
0x46: {  	_ =	shalt  }
0x47: {  	_ =	shalt  }
0x48: {  	_ =	shalt  }
0x49: {  	_ =	shalt  }
0x4a: {  	_ =	shalt  }
0x4b: {  	_ =	shalt  }
0x4c: {  	_ =	shalt  }
0x4d: {  	_ =	shalt  }
0x4e: {  	_ =	shalt  }
0x4f: {  	_ =	shalt  }
0x50: {  	_ =	shalt  }
0x51: {  	_ =	shalt  }
0x52: {  	_ =	shalt  }
0x53: {  	_ =	shalt  }
0x54: {  	_ =	shalt  }
0x55: {  	_ =	shalt  }
0x56: {  	_ =	shalt  }
0x57: {  	_ =	shalt  }
0x58: {  	_ =	shalt  }
0x59: {  	_ =	shalt  }
0x5a: {  	_ =	shalt  }
0x5b: {  	_ =	shalt  }
0x5c: {  	_ =	shalt  }
0x5d: {  	_ =	shalt  }
0x5e: {  	_ =	shalt  }
0x5f: {  	_ =	shalt  }
0x60: {  	_ =	shalt  }
0x61: {  	_ =	shalt  }
0x62: {  	_ =	shalt  }
0x63: {  	_ =	shalt  }
0x64: {  	_ =	shalt  }
0x65: {  	_ =	shalt  }
0x66: {  	_ =	shalt  }
0x67: {  	_ =	shalt  }
0x68: {  	_ =	shalt  }
0x69: {  	_ =	shalt  }
0x6a: {  	_ =	shalt  }
0x6b: {  	_ =	shalt  }
0x6c: {  	_ =	shalt  }
0x6d: {  	_ =	shalt  }
0x6e: {  	_ =	shalt  }
0x6f: {  	_ =	shalt  }
0x70: {  	_ =	shalt  }
0x71: {  	_ =	shalt  }
0x72: {  	_ =	shalt  }
0x73: {  	_ =	shalt  }
0x74: {  	_ =	shalt  }
0x75: {  	_ =	shalt  }
0x76: {  	_ =	shalt  }
0x77: {  	_ =	shalt  }
0x78: {  	_ =	shalt  }
0x79: {  	_ =	shalt  }
0x7a: {  	_ =	shalt  }
0x7b: {  	_ =	shalt  }
0x7c: {  	_ =	shalt  }
0x7d: {  	_ =	shalt  }
0x7e: {  	_ =	shalt  }
0x7f: {  	_ =	shalt  }
0x80: {  	_ =	shalt  }
0x81: {  	_ =	shalt  }
0x82: {  	_ =	shalt  }
0x83: {  	_ =	shalt  }
0x84: {  	_ =	shalt  }
0x85: {  	_ =	shalt  }
0x86: {  	_ =	shalt  }
0x87: {  	_ =	shalt  }
.Lfunc_end0:
.L_simem_size_0:
called_computation.1_lowered:
.L_overlay_start_0:
0x88: {  	s2 =	sld [smem:$0x3FD9]  }
0x89: {  	s3 =	sld [smem:$0x3FFE];
	_ =	sdelay $0x1  }
0x8a: {  	s1 =	srdreg.scid  }
0x8b: {  	s0 =	sand.u32 $0x1, s1  }
0x8c: {  	s16 =	sshll.u32 s0, $0xA;
	s2 =	sadd.s32 s3, s2  }
0x8d: {  	s2 =	sadd.s32 s2, s16  }
0x8e: {  	[smem:$0x3FC1] =	sst s2  }
0x8f: {  	_ = 	snop  }
0x90: {  	(tm) =	ssettm $0x1  }
0x91: {  	s17 =	sld [smem:$0x3FFB];
	_ =	sdelay $0x3  }
0x92: {  	_ =	strace s17  }
0x93: {  	s2 =	sld [smem:$0x3FFC];
	_ =	sdelay $0x3  }
0x94: {  	_ =	strace s2  }
0x95: {  	s2 =	sld [smem:$0x3FFD];
	_ =	sdelay $0x3  }
0x96: {  	_ =	strace s2  }
0x97: {  	_ =	strace $0x8FFFFFFF  }
0x98: {  	s18 =	sld [smem:$0x3FDB];
	_ =	sdelay $0x1  }
0x99: {  	s19 =	simm.s32 $_scs_section_size  }
0x9a: {  	s4 =	simm.s32 $_size__tile_overlayer_lowered;
	s5 =	simm.s32 $_tile_overlayer_lowered  }
0x9b: {  	s22 =	simm.s32 $0x1BFF;
	s21 =	sshll.u32 s5, $0x1;
	s2 =	sadd.s32 s19, s18  }
0x9c: {  	s6 =	simm.s32 $0x0;
	s20 =	sshll.u32 s4, $0x1;
	s4 =	sadd.s32 s21, s2  }
0x9d: {  	[timem:s6], [sflag:s22] =	dma.local [hbm:s4], s20  }
0x9e: {  	_ =	swait.ge [sflag:s22], s20  }
0x9f: {  	s3 =	ssub.s32 $0x0, s20;
	[sflag:s22] =	ssyncset.done $0x0  }
0xa0: {  	[sflag:s22] =	ssyncadd.s32 s3;
	_ =	sdelay $0x1  }
0xa1: {  	s23 =	simm.s32 $0x1B8B  }
0xa2: {  	_ =	swait.ge [sflag:s23], $0x1  }
0xa3: {  	[sflag:s23] =	ssyncset.done $0x0  }
0xa4: {  	s25 =	simm.s32 $0x1B8E;
	s24 =	sld [smem:$0x3FFE];
	[sflag:s23] =	ssyncadd.s32 $0xFFFFFFFF  }
0xa5: {  	s26 =	simm.s32 $execute0_lowered;
	[smem:$0x3FD2] =	sst s25  }
0xa6: {  	s4 =	sshll.u32 s26, $0x1;
	_ =	strace $0x80000049;
	[dreg:$0x1] =	wrdreg $0xFFFFFFFF  }
0xa7: {  	s28 =	simm.s32 $_size_execute0_lowered;
	s2 =	sadd.s32 s2, s4;
	[dreg:$0x0] =	wrdreg $0x0  }
0xa8: {  	s4 =	sshll.u32 s28, $0x1;
	[dreg:$0x2] =	wrdreg s2  }
0xa9: {  	[dreg:$0x3] =	wrdreg s4  }
0xaa: {  	[dreg:$0x4] =	wrdreg $0xC0  }
0xab: {  	_ =	task [dreg:s6], $0x5FFFF  }
0xac: {  	[dreg:$0x1] =	wrdreg $0xFFFFFFFF  }
0xad: {  	[dreg:$0x0] =	wrdreg $0x60  }
0xae: {  	[dreg:$0x2] =	wrdreg s24  }
0xaf: {  	[dreg:$0x3] =	wrdreg $0x9  }
0xb0: {  	_ =	task.clear_ibuf [dreg:s6], $0x4FFFF;
	_ =	strace $0x90000049  }
0xb1: {  	s29 =	simm.s32 $0x9;
	_ =	strace $0x8000004B  }
0xb2: {  	_ =	swait.ge [sflag:s29], $0x1  }
0xb3: {  	[sflag:s29] =	ssyncadd.s32 $0xFFFFFFFF  }
0xb4: {  	_ =	strace $0x9000004B  }
0xb5: {  	_ =	sfence  }
0xb6: {  	s30 =	sld [smem:$0x0];
	_ =	sdelay $0x2  }
0xb7: {  	s31 =	sshll.u32 s1, $0xD;
	s1 =	sshrl.u32 s1, $0x2  }
0xb8: {  	s3 =	sand.u32 $0x4000, s31;
	s1 =	sadd.s32 s1, s30  }
0xb9: {  	s0 =	sor.u32 s3, s0;
	s1 =	sshll.u32 s1, $0x11  }
0xba: {  	s0 =	sor.u32 s1, s0  }
0xbb: {  	s0 =	sadd.s32 $0x8F2B, s0  }
0xbc: {  	[sflag:s0] =	ssyncadd.remote.s32 $0x1  }
0xbd: {  	_ =	sfence.sel $0xFFFF  }
0xbe: {  	[dreg:$0x0] =	wrdreg $0xFFFFFFFF;
	(pc) =	sbr.abs _section_cstart, $3  }
0xbf: {  	[dreg:$0x1] =	wrdreg $0xFFFFFFFF  }
0xc0: {  	_ =	task.clear_ibuf [dreg:s6], $0x2FFFF;
	_ =	strace $0x9FFFFFFF  }
0xc1: {  	(tm) =	ssettm $0x7FFFFFFF  }
tec
execute0_lowered:
.L_overlay_start_1:
0x0: {  	(tag) =	ssettag $0x1  }
0x1: {  	s7 =	rddreg [dreg:$0x0]  }
0x2: {  	s0 =	rddreg [dreg:$0x1];
	s2 =	simm.s32 $0x0;
	s1 =	stileid.u32  }
0x3: {  	s4 =	srdreg.scid;
	s11 =	simm.s32 $0x80;
	s12 =	simm.s32 $0xB200  }
0x4: {  	s13 =	simm.s32 $0xE400;
	s14 =	simm.s32 $0x11600;
	s15 =	simm.s32 $0x1  }
0x5: {  	s16 =	simm.s32 $0x2;
	s17 =	simm.s32 $0x14800;
	s18 =	simm.s32 $0x0  }
0x6: {  	[smem:$0x7FF] =	sst s2;
	s3 =	sadd.s32 $0xF43800, s7;
	s5 =	sshrl.u32 s1, $0x3  }
0x7: {  	s4 =	sand.u32 $0x1, s4;
	s9 =	sshll.u32 s1, $0x1;
	_ =	strace $0x8000004A  }
0x8: {  	s6 =	sshll.u32 s5, $0x10;
	s8 =	ssub.s32 $0x2, s4;
	s9 =	sand.u32 $0xE, s9  }
0x9: {  	s5 =	sand.u32 $0x1, s5;
	s6 =	sadd.s32 s6, s7;
	s10 =	sshrl.u32 s8, $0x1  }
0xa: {  	s4 =	sor.u32 s4, s9;
	p0 =	seq.s32 s5, $0x1;
	s9 =	simm.s32 $0x1EA5C00  }
0xb: {  	s8 =	ssub.s32 s8, s10;
	s4 =	sshll.u32 s4, $0x8;
	s5 =	sadd.s32 $0x1400, s6  }
0xc: {  	s9 =	simm.s32 @!p0 $0x1E85C00;
	s10 =	simm.s32 $0x8000;
	s6 =	smax.u32 s8, $0x1  }
0xd: {  	s7 =	sadd.s32 s9, s7;
	s8 =	simm.s32 $0x3;
	s9 =	simm.s32 $0x64  }
.LBB2_1:
0xe: {  	p1 =	por $0x1, $0x1;
	s19 =	simm.s32 $0x0  }
.LBB2_2:
0xf: {  	s19 =	sor.u32 s4, s19  }
0x10: {  	s20 =	sshll.u32 s19, $0x5  }
0x11: {  	s21 =	sadd.s32 s7, s20;
	s20 =	simm.s32 $0x0  }
0x12: {  	[tilespmem:s20], [sflag:$0x3] =	stream.linear.gather [hbm4b:s21+s20], $0x8000, $0x38;
	[tilespmem:$0x18800] =	vst v63  }
0x13: {  	_ =	swait.ge [sflag:s8], $0x8000  }
0x14: {  	[sflag:s8] =	ssyncset.done $0x0  }
0x15: {  	[sflag:s8] =	ssyncadd.s32 $0xFFFF8000  }
0x16: {  	[tilespmem:s10], [sflag:$0x1] =	stream.indirect.gather [hbm4b:s3+s9], $0x80, s20, s9, $0xb8;
	[tilespmem:$0x18800] =	vst v63  }
0x17: {  	p0 =	por p1, p1  }
0x18: {  	[tilespmem:s12], [sflag:$0x1] =	stream.indirect.gather [hbm4b:s3+s9], $0x80, s11, s9, $0xb8;
	[tilespmem:$0x18800] =	vst v63  }
.LBB2_3:
0x19: {  	s21 =	sshllo.u32 s20, $0x1  }
0x1a: {  	s22 =	sshll.u32 s21, $0x8  }
0x1b: {  	s22 =	sand.u32 $0x3FFFFF00, s22  }
0x1c: {  	[tilespmem:s13], [sflag:$0x2] =	stream.indirect.gather [hbm4b:s3+s9], $0x80, s22, s9, $0xb8;
	[tilespmem:$0x18800] =	vst v63  }
0x1d: {  	s22 =	sor.u32 $0x80, s22  }
0x1e: {  	[tilespmem:s14], [sflag:$0x2] =	stream.indirect.gather [hbm4b:s3+s9], $0x80, s22, s9, $0xb8;
	[tilespmem:$0x18800] =	vst v63  }
0x1f: {  	_ =	swait.ge [sflag:s15], $0x3200  }
0x20: {  	[sflag:s15] =	ssyncset.done $0x0  }
0x21: {  	[sflag:s15] =	ssyncadd.s32 $0xFFFFCE00  }
0x22: {  	_ =	swait.ge [sflag:s15], $0x3200  }
0x23: {  	[sflag:s15] =	ssyncset.done $0x0  }
0x24: {  	s24 =	simm.s32 $0x0;
	[sflag:s15] =	ssyncadd.s32 $0xFFFFCE00  }
0x25: {  	v0 =	vld [tilespmem:s24+$0x81B0]  }
0x26: {  	v1 =	vld [tilespmem:s24+$0x8000]  }
0x27: {  	v2 =	vld [tilespmem:s24+$0x8010]  }
0x28: {  	v5 =	vld [tilespmem:s24+$0x8020]  }
0x29: {  	v6 =	vld [tilespmem:s24+$0x8030]  }
0x2a: {  	v7 =	vld [tilespmem:s24+$0x8080]  }
0x2b: {  	v8 =	vld [tilespmem:s24+$0x8090]  }
0x2c: {  	v10 =	vld [tilespmem:s24+$0x80A0]  }
0x2d: {  	v12 =	vld [tilespmem:s24+$0x80B0]  }
0x2e: {  	v11 =	vimm.f32 $0.0e+00;
	v13 =	vld [tilespmem:s24+$0x8100]  }
0x2f: {  	v14 =	vld [tilespmem:s24+$0x8110];
	v3 =	vadd.f32 v0, v11  }
0x30: {  	v9 =	vadd.f32 v1, v11;
	v4 =	vadd.f32 v2, v11  }
0x31: {  	v16 =	vld [tilespmem:s24+$0x8120];
	v5 =	vadd.f32 v5, v11;
	v0 =	vadd.f32 v6, v11  }
0x32: {  	v17 =	vld [tilespmem:s24+$0x8130];
	v6 =	vadd.f32 v7, v11;
	v1 =	vadd.f32 v8, v11  }
0x33: {  	v18 =	vld [tilespmem:s24+$0x8180];
	v7 =	vadd.f32 v10, v11;
	v2 =	vadd.f32 v12, v11  }
0x34: {  	v15 =	vimm.f32 $0.0e+00;
	v19 =	vld [tilespmem:s24+$0x8190];
	v8 =	vadd.f32 v13, v11;
	v10 =	vadd.f32 v14, v11  }
0x35: {  	s23 =	simm.s32 $0x1000;
	s22 =	simm.s32 $0x200;
	v20 =	vld [tilespmem:s24+$0x81A0];
	v12 =	vimm.f32 $0.0e+00;
	v13 =	vimm.f32 $0.0e+00;
	v14 =	vimm.f32 $0.0e+00  }
.LBB2_4:
0x36: {  	p1 =	sne.s32 s23, $0x18800;
	v21 =	vld [tilespmem:s22+$0x81B0];
	v11 =	vadd.f32 v16, v11  }
0x37: {  	v16 =	vld [tilespmem:s22+$0x8000];
	v12 =	vadd.f32 v17, v12  }
0x38: {  	v17 =	vld [tilespmem:s22+$0x8010];
	v15 =	vadd.f32 v18, v15  }
0x39: {  	v18 =	vld [tilespmem:s22+$0x8020];
	v13 =	vadd.f32 v19, v13  }
0x3a: {  	v19 =	vld [tilespmem:s22+$0x8030];
	v14 =	vadd.f32 v20, v14  }
0x3b: {  	v20 =	vld [tilespmem:s22+$0x8080];
	v3 =	vadd.f32 v21, v3  }
0x3c: {  	v9 =	vadd.f32 v16, v9;
	v16 =	vld [tilespmem:s22+$0x8090]  }
0x3d: {  	v4 =	vadd.f32 v17, v4;
	v17 =	vld [tilespmem:s22+$0x80A0]  }
0x3e: {  	v5 =	vadd.f32 v18, v5;
	v18 =	vld [tilespmem:s22+$0x80B0]  }
0x3f: {  	v0 =	vadd.f32 v19, v0;
	v19 =	vld [tilespmem:s22+$0x8100]  }
0x40: {  	v6 =	vadd.f32 v20, v6;
	v20 =	vld [tilespmem:s22+$0x8110]  }
.Ltmp0:
0x41: {  	v1 =	vadd.f32 v16, v1;
	v16 =	vld [tilespmem:s22+$0x8120];
	(pc) =	sbr.rel @p1 .LBB2_4-.Ltmp0, $4  }
0x42: {  	v7 =	vadd.f32 v17, v7;
	v17 =	vld [tilespmem:s22+$0x8130]  }
0x43: {  	v2 =	vadd.f32 v18, v2;
	v18 =	vld [tilespmem:s22+$0x8180]  }
0x44: {  	v8 =	vadd.f32 v19, v8;
	v19 =	vld [tilespmem:s22+$0x8190]  }
0x45: {  	v10 =	vadd.f32 v20, v10;
	v20 =	vld [tilespmem:s22+$0x81A0];
	s22 =	sshra.s32 s23, $0x2;
	s23 =	sadd.s32 $0x800, s23  }
0x46: {  	v21 =	vld [tilespmem:s22+$0x81B0]  }
0x47: {  	v22 =	vld [tilespmem:s22+$0x8000]  }
0x48: {  	v23 =	vld [tilespmem:s22+$0x8010]  }
0x49: {  	v24 =	vld [tilespmem:s22+$0x8020]  }
0x4a: {  	v25 =	vld [tilespmem:s22+$0x8030]  }
0x4b: {  	v26 =	vld [tilespmem:s22+$0x8080]  }
0x4c: {  	v27 =	vld [tilespmem:s22+$0x8090]  }
0x4d: {  	v28 =	vld [tilespmem:s22+$0x80A0]  }
0x4e: {  	v29 =	vld [tilespmem:s22+$0x80B0];
	v11 =	vadd.f32 v16, v11  }
0x4f: {  	v16 =	vld [tilespmem:s22+$0x8100];
	v12 =	vadd.f32 v17, v12;
	v15 =	vadd.f32 v18, v15  }
0x50: {  	v17 =	vld [tilespmem:s22+$0x8110];
	v13 =	vadd.f32 v19, v13;
	v14 =	vadd.f32 v20, v14  }
0x51: {  	v18 =	vld [tilespmem:s22+$0x8120];
	v3 =	vadd.f32 v21, v3;
	v9 =	vadd.f32 v22, v9  }
0x52: {  	v4 =	vadd.f32 v23, v4;
	v5 =	vadd.f32 v24, v5  }
0x53: {  	v19 =	vld [tilespmem:s22+$0x8130];
	v0 =	vadd.f32 v25, v0;
	v6 =	vadd.f32 v26, v6  }
0x54: {  	v20 =	vld [tilespmem:s22+$0x8180];
	v1 =	vadd.f32 v27, v1;
	v7 =	vadd.f32 v28, v7  }
0x55: {  	v21 =	vld [tilespmem:s22+$0x8190];
	v2 =	vadd.f32 v29, v2;
	v8 =	vadd.f32 v16, v8  }
0x56: {  	v22 =	vld [tilespmem:s22+$0x81A0];
	v10 =	vadd.f32 v17, v10;
	v11 =	vadd.f32 v18, v11  }
0x57: {  	v6 =	vadd.f32 v6, v9;
	v1 =	vadd.f32 v1, v4  }
0x58: {  	v5 =	vadd.f32 v7, v5;
	v0 =	vadd.f32 v2, v0  }
0x59: {  	v12 =	vadd.f32 v19, v12;
	v15 =	vadd.f32 v20, v15  }
0x5a: {  	v4 =	vadd.f32 v8, v6;
	v1 =	vadd.f32 v10, v1  }
0x5b: {  	v13 =	vadd.f32 v21, v13;
	v9 =	vadd.f32 v22, v14  }
0x5c: {  	v0 =	vadd.f32 v12, v0;
	v2 =	vadd.f32 v15, v4  }
0x5d: {  	v4 =	vadd.f32 v11, v5;
	v1 =	vadd.f32 v13, v1  }
0x5e: {  	s30 =	sshll.u32 s20, $0x8;
	v0 =	vadd.f32 v3, v0;
	v2 =	vmul.f32 $4.999999890e-03, v2  }
0x5f: {  	s22 =	sand.u32 $0x3FFFFF00, s30;
	v4 =	vadd.f32 v9, v4;
	v1 =	vmul.f32 $4.999999890e-03, v1  }
0x60: {  	p1 =	seq.s32 s20, $0x3F;
	v0 =	vmul.f32 $4.999999890e-03, v0;
	[tilespmem:s22+$0x14800] =	vst v2  }
0x61: {  	s23 =	sshll.u32 @!p1 s20, $0x9;
	v2 =	vmul.f32 $4.999999890e-03, v4;
	[tilespmem:s22+$0x14810] =	vst v1  }
0x62: {  	s23 =	sand.u32 @!p1 $0x3FFFFE00, s23;
	[tilespmem:s22+$0x14830] =	vst v0  }
0x63: {  	s24 =	simm.s32 @!p1 $0x64;
	s25 =	simm.s32 @!p1 $0x8000;
	[tilespmem:s22+$0x14820] =	vst v2;
	s22 =	sadd.s32 @!p1 $0x200, s23  }
0x64: {  	[tilespmem:s25], [sflag:$0x1] =	stream.indirect.gather @!p1 [hbm4b:s3+s24], $0x80, s22, s24, $0xb8;
	[tilespmem:$0x18800] =	vst v63  }
0x65: {  	s22 =	sadd.s32 @!p1 $0x280, s23;
	s23 =	simm.s32 @!p1 $0xB200  }
0x66: {  	[tilespmem:s23], [sflag:$0x1] =	stream.indirect.gather @!p1 [hbm4b:s3+s24], $0x80, s22, s24, $0xb8;
	[tilespmem:$0x18800] =	vst v63  }
0x67: {  	_ =	swait.ge [sflag:s16], $0x3200  }
0x68: {  	[sflag:s16] =	ssyncset.done $0x0  }
0x69: {  	[sflag:s16] =	ssyncadd.s32 $0xFFFFCE00  }
0x6a: {  	_ =	swait.ge [sflag:s16], $0x3200  }
0x6b: {  	[sflag:s16] =	ssyncset.done $0x0  }
0x6c: {  	s31 =	simm.s32 $0x0;
	[sflag:s16] =	ssyncadd.s32 $0xFFFFCE00  }
0x6d: {  	v0 =	vld [tilespmem:s31+$0xE5B0]  }
0x6e: {  	v1 =	vld [tilespmem:s31+$0xE400]  }
0x6f: {  	v2 =	vld [tilespmem:s31+$0xE410]  }
0x70: {  	v5 =	vld [tilespmem:s31+$0xE420]  }
0x71: {  	v6 =	vld [tilespmem:s31+$0xE430]  }
0x72: {  	v7 =	vld [tilespmem:s31+$0xE480]  }
0x73: {  	v8 =	vld [tilespmem:s31+$0xE490]  }
0x74: {  	v10 =	vld [tilespmem:s31+$0xE4A0]  }
0x75: {  	v12 =	vld [tilespmem:s31+$0xE4B0]  }
0x76: {  	v11 =	vimm.f32 $0.0e+00;
	v13 =	vld [tilespmem:s31+$0xE500]  }
0x77: {  	v14 =	vld [tilespmem:s31+$0xE510];
	v3 =	vadd.f32 v0, v11  }
0x78: {  	v9 =	vadd.f32 v1, v11;
	v4 =	vadd.f32 v2, v11  }
0x79: {  	v16 =	vld [tilespmem:s31+$0xE520];
	v5 =	vadd.f32 v5, v11;
	v0 =	vadd.f32 v6, v11  }
0x7a: {  	v17 =	vld [tilespmem:s31+$0xE530];
	v6 =	vadd.f32 v7, v11;
	v1 =	vadd.f32 v8, v11  }
0x7b: {  	v18 =	vld [tilespmem:s31+$0xE580];
	v7 =	vadd.f32 v10, v11;
	v2 =	vadd.f32 v12, v11  }
0x7c: {  	v15 =	vimm.f32 $0.0e+00;
	v19 =	vld [tilespmem:s31+$0xE590];
	v8 =	vadd.f32 v13, v11;
	v10 =	vadd.f32 v14, v11  }
0x7d: {  	s22 =	simm.s32 $0x200;
	s23 =	simm.s32 $0x1000;
	v20 =	vld [tilespmem:s31+$0xE5A0];
	v12 =	vimm.f32 $0.0e+00;
	v13 =	vimm.f32 $0.0e+00;
	v14 =	vimm.f32 $0.0e+00  }
.LBB2_6:
0x7e: {  	p1 =	sne.s32 s23, $0x18800;
	v21 =	vld [tilespmem:s22+$0xE5B0];
	v11 =	vadd.f32 v16, v11  }
0x7f: {  	v16 =	vld [tilespmem:s22+$0xE400];
	v12 =	vadd.f32 v17, v12  }
0x80: {  	v17 =	vld [tilespmem:s22+$0xE410];
	v15 =	vadd.f32 v18, v15  }
0x81: {  	v18 =	vld [tilespmem:s22+$0xE420];
	v13 =	vadd.f32 v19, v13  }
0x82: {  	v19 =	vld [tilespmem:s22+$0xE430];
	v14 =	vadd.f32 v20, v14  }
0x83: {  	v20 =	vld [tilespmem:s22+$0xE480];
	v3 =	vadd.f32 v21, v3  }
0x84: {  	v9 =	vadd.f32 v16, v9;
	v16 =	vld [tilespmem:s22+$0xE490]  }
0x85: {  	v4 =	vadd.f32 v17, v4;
	v17 =	vld [tilespmem:s22+$0xE4A0]  }
0x86: {  	v5 =	vadd.f32 v18, v5;
	v18 =	vld [tilespmem:s22+$0xE4B0]  }
0x87: {  	v0 =	vadd.f32 v19, v0;
	v19 =	vld [tilespmem:s22+$0xE500]  }
0x88: {  	v6 =	vadd.f32 v20, v6;
	v20 =	vld [tilespmem:s22+$0xE510]  }
.Ltmp1:
0x89: {  	v1 =	vadd.f32 v16, v1;
	v16 =	vld [tilespmem:s22+$0xE520];
	(pc) =	sbr.rel @p1 .LBB2_6-.Ltmp1, $4  }
0x8a: {  	v7 =	vadd.f32 v17, v7;
	v17 =	vld [tilespmem:s22+$0xE530]  }
0x8b: {  	v2 =	vadd.f32 v18, v2;
	v18 =	vld [tilespmem:s22+$0xE580]  }
0x8c: {  	v8 =	vadd.f32 v19, v8;
	v19 =	vld [tilespmem:s22+$0xE590]  }
0x8d: {  	v10 =	vadd.f32 v20, v10;
	v20 =	vld [tilespmem:s22+$0xE5A0];
	s22 =	sshra.s32 s23, $0x2;
	s23 =	sadd.s32 $0x800, s23  }
0x8e: {  	v21 =	vld [tilespmem:s22+$0xE5B0]  }
0x8f: {  	v22 =	vld [tilespmem:s22+$0xE400]  }
0x90: {  	v23 =	vld [tilespmem:s22+$0xE410]  }
0x91: {  	v24 =	vld [tilespmem:s22+$0xE420]  }
0x92: {  	v25 =	vld [tilespmem:s22+$0xE430]  }
0x93: {  	v26 =	vld [tilespmem:s22+$0xE480]  }
0x94: {  	v27 =	vld [tilespmem:s22+$0xE490]  }
0x95: {  	v28 =	vld [tilespmem:s22+$0xE4A0]  }
0x96: {  	v29 =	vld [tilespmem:s22+$0xE4B0]  }
0x97: {  	v11 =	vadd.f32 v16, v11;
	v52 =	vld [tilespmem:s22+$0xE500]  }
0x98: {  	v53 =	vld [tilespmem:s22+$0xE510];
	v12 =	vadd.f32 v17, v12;
	v15 =	vadd.f32 v18, v15  }
0x99: {  	v54 =	vld [tilespmem:s22+$0xE520];
	v13 =	vadd.f32 v19, v13;
	v14 =	vadd.f32 v20, v14  }
0x9a: {  	v55 =	vld [tilespmem:s22+$0xE530];
	v3 =	vadd.f32 v21, v3;
	v9 =	vadd.f32 v22, v9  }
0x9b: {  	v56 =	vld [tilespmem:s22+$0xE580];
	v4 =	vadd.f32 v23, v4;
	v5 =	vadd.f32 v24, v5  }
0x9c: {  	v57 =	vld [tilespmem:s22+$0xE590];
	v0 =	vadd.f32 v25, v0;
	v6 =	vadd.f32 v26, v6  }
0x9d: {  	v58 =	vld [tilespmem:s22+$0xE5A0];
	v1 =	vadd.f32 v27, v1;
	v7 =	vadd.f32 v28, v7  }
0x9e: {  	v2 =	vadd.f32 v29, v2;
	v8 =	vadd.f32 v52, v8  }
0x9f: {  	v10 =	vadd.f32 v53, v10;
	v11 =	vadd.f32 v54, v11  }
0xa0: {  	v12 =	vadd.f32 v55, v12;
	v15 =	vadd.f32 v56, v15  }
0xa1: {  	v13 =	vadd.f32 v57, v13;
	v6 =	vadd.f32 v6, v9  }
0xa2: {  	v59 =	vadd.f32 v58, v14;
	v1 =	vadd.f32 v1, v4  }
0xa3: {  	v5 =	vadd.f32 v7, v5;
	v60 =	vadd.f32 v8, v6  }
0xa4: {  	v0 =	vadd.f32 v2, v0;
	v1 =	vadd.f32 v10, v1  }
0xa5: {  	v62 =	vadd.f32 v11, v5;
	v61 =	vadd.f32 v15, v60  }
0xa6: {  	s20 =	sadd.s32 $0x1, s20;
	v0 =	vadd.f32 v12, v0;
	v1 =	vadd.f32 v13, v1  }
0xa7: {  	s21 =	sshll.u32 s21, $0x7;
	p1 =	sne.s32 s20, $0x40;
	v4 =	vadd.f32 v59, v62;
	v2 =	vmul.f32 $4.999999890e-03, v61  }
.Ltmp2:
0xa8: {  	s21 =	sand.u32 $0x3FFFFF80, s21;
	v0 =	vadd.f32 v3, v0;
	v1 =	vmul.f32 $4.999999890e-03, v1;
	(pc) =	sbr.rel @p1 .LBB2_3-.Ltmp2, $4  }
0xa9: {  	v63 =	vmul.f32 $4.999999890e-03, v4;
	[tilespmem:s21+$0x14800] =	vst v2  }
0xaa: {  	v0 =	vmul.f32 $4.999999890e-03, v0;
	[tilespmem:s21+$0x14810] =	vst v1  }
0xab: {  	[tilespmem:s21+$0x14820] =	vst v63  }
0xac: {  	[tilespmem:s21+$0x14830] =	vst v0  }
0xad: {  	s19 =	sshll.u32 s19, $0x4  }
.Ltmp3:
0xae: {  	s19 =	sadd.s32 s19, s5;
	(pc) =	sbr.rel @p0 .LBB2_2-.Ltmp3, $4  }
0xaf: {  	[hbm4b:s19+s2] =	stream.linear.scatter [tilespmem:s17], [sflag:$0x3], $0x4000, $0x38;
	[tilespmem:$0x18800] =	vst v63  }
0xb0: {  	_ =	swait.ge [sflag:s8], $0x4000  }
0xb1: {  	[sflag:s8] =	ssyncset.done $0x0  }
0xb2: {  	p1 =	por $0x0, $0x0;
	s19 =	simm.s32 $0x80;
	[sflag:s8] =	ssyncadd.s32 $0xFFFFC000  }
0xb3: {  	s18 =	sadd.s32 $0x1, s18  }
0xb4: {  	p0 =	sne.s32 s18, s6  }
.Ltmp4:
0xb5: {  	_ = 	snop;
	(pc) =	sbr.rel @p0 .LBB2_1-.Ltmp4, $1  }
0xb6: {  	_ =	sdelay $0x3  }
0xb7: {  	_ =	sfence.sel $0x180000  }
0xb8: {  	[bflag:$0x0] =	sbarrier.arrive $0xFFFF  }
0xb9: {  	p0 =	sne.s32 s1, $0x0;
	_ =	strace $0x9000004A  }
0xba: {  	s0 =	sadd.s32 @!p0 $0x100000, s0;
	[bflag:$0x2] =	sbarrier.arrive $0xFFFF  }
0xbb: {  	[sflag:s0] =	ssyncadd.tile.s32 @!p0 $0x1;
	_ =	shalt  }
.Lfunc_end2:
_tile_overlayer_lowered:
.L_overlay_start_2:
0xbc: {  	(tag) =	ssettag $0x2  }
0xbd: {  	s0 =	rddreg [dreg:$0x0];
	s2 =	stileid.u32  }
0xbe: {  	s1 =	rddreg [dreg:$0x1];
	p0 =	sne.s32 s2, $0x0  }
0xbf: {  	s3 =	rddreg [dreg:$0x2];
	[bflag:$0x3] =	sbarrier.arrive $0xFFFF;
	s2 =	simm.s32 @!p0 $0x1C03  }
0xc0: {  	[timem:s3], [sflag:s2] =	dma.local @!p0 [hbm:s0], s1  }
0xc1: {  	s0 =	simm.s32 @!p0 $0x3  }
0xc2: {  	_ =	swait.ge @!p0 [sflag:s0], s1  }
0xc3: {  	s1 =	ssub.s32 @!p0 $0x0, s1;
	[sflag:s0] =	ssyncset.done @!p0 $0x0  }
0xc4: {  	[sflag:s0] =	ssyncadd.s32 @!p0 s1  }
0xc5: {  	[bflag:$0x3] =	sbarrier.arrive $0xFFFF  }
0xc6: {  	_ =	shalt  }

</sc_bundles>
